<compile_context>
chip_gen: v7x
topology: tpu7x:2x2x1
jax: 0.10.2.dev20260603
libtpu: 0.0.44.dev20260713+nightly
codegen_flags: <defaults>
</compile_context>

<pallas_src>
import functools

import jax
import jax.numpy as jnp
from jax import lax
from jax.experimental import pallas as pl
from jax.experimental.pallas import tpu as pltpu
from jax.experimental.pallas import tpu_sc as plsc

_NR = 8
_UNROLL = 2
_B_SC = 1
_NW = 32
_GP = 104


def _tc_detection_kernel(rois_ref, ids_ref, gt_ref, out_ref):
    r = rois_ref[0]
    y1 = r[0]
    x1 = r[1]
    y2 = r[2]
    x2 = r[3]
    a1 = (y2 - y1) * (x2 - x1)
    G = gt_ref.shape[1]

    def gbody(g, carry):
        nc, cb = carry
        gy1 = gt_ref[0, g, 0]
        gx1 = gt_ref[0, g, 1]
        gy2 = gt_ref[0, g, 2]
        gx2 = gt_ref[0, g, 3]
        gid = ids_ref[0, g, 0]
        valid = ((jnp.abs(gy1) > 0) | (jnp.abs(gx1) > 0) |
                 (jnp.abs(gy2) > 0) | (jnp.abs(gx2) > 0))
        neg1 = jnp.float32(-1.0)
        is_nc = valid & (gid > 0)
        is_c = valid & (gid < 0)

        a2 = (gy2 - gy1) * (gx2 - gx1)
        iy1 = jnp.maximum(y1, gy1)
        ix1 = jnp.maximum(x1, gx1)
        iy2 = jnp.minimum(y2, gy2)
        ix2 = jnp.minimum(x2, gx2)
        inter = jnp.maximum(iy2 - iy1, 0.0) * jnp.maximum(ix2 - ix1, 0.0)
        union = a1 + a2 - inter
        iou = inter / jnp.maximum(union, 1e-8)
        nc = jnp.maximum(nc, jnp.where(is_nc, iou, neg1))
        cb = jnp.maximum(cb, jnp.where(is_c, iou, neg1))
        return nc, cb

    init = jnp.full_like(a1, -1.0)
    nc_max, c_max = jax.lax.fori_loop(0, G, gbody, (init, init),
                                      unroll=_UNROLL)

    roi_valid = ((jnp.abs(y1) > 0) | (jnp.abs(x1) > 0) |
                 (jnp.abs(y2) > 0) | (jnp.abs(x2) > 0))
    neg_one = jnp.float32(-1.0)
    nc_max = jnp.where(roi_valid, nc_max, neg_one)
    c_max = jnp.where(roi_valid, c_max, neg_one)
    pos = ((nc_max >= 0.5) & roi_valid).astype(jnp.float32)
    neg = ((nc_max < 0.5) & (c_max < 0.001) & roi_valid).astype(jnp.float32)
    out_ref[0, 0] = nc_max
    out_ref[0, 1] = c_max
    out_ref[0, 2] = pos
    out_ref[0, 3] = neg


def _tc_detection(rois_t, gt_ids, gt_boxes):
    B, _, N = rois_t.shape
    G = gt_boxes.shape[1]
    NL = N // _NR
    rb = _NR // 8
    rois_r = rois_t.reshape(B, 4, _NR, NL)
    out = pl.pallas_call(
        _tc_detection_kernel,
        grid=(B, rb),
        in_specs=[
            pl.BlockSpec((1, 4, 8, NL), lambda b, r: (b, 0, r, 0)),
            pl.BlockSpec((1, G, 1), lambda b, r: (b, 0, 0),
                         memory_space=pltpu.SMEM),
            pl.BlockSpec((1, G, 4), lambda b, r: (b, 0, 0),
                         memory_space=pltpu.SMEM),
        ],
        out_specs=pl.BlockSpec((1, 4, 8, NL), lambda b, r: (b, 0, r, 0)),
        out_shape=jax.ShapeDtypeStruct((B, 4, _NR, NL), jnp.float32),
        compiler_params=pltpu.CompilerParams(
            dimension_semantics=("parallel", "parallel"),
        ),
    )(rois_r, gt_ids.reshape(B, G, 1), gt_boxes)
    return out.reshape(B, 4, N)


def _sc_detection(rois_tp, gt_ids_b, gt_boxes_b):
    Bs, _, NP = rois_tp.shape
    GP = gt_ids_b.shape[1]
    SLICE = NP // _NW
    mesh = plsc.VectorSubcoreMesh(core_axis_name="c", subcore_axis_name="s")

    @functools.partial(
        pl.kernel, mesh=mesh,
        out_type=jax.ShapeDtypeStruct((Bs, 4, NP), jnp.float32),
        scratch_types=[
            pltpu.VMEM((4, SLICE), jnp.float32),
            pltpu.VMEM((4, SLICE), jnp.float32),
            pltpu.VMEM((4, GP, 16), jnp.float32),
            pltpu.VMEM((GP, 16), jnp.int32),
            pltpu.VMEM((GP, 16), jnp.float32),
            pltpu.VMEM((GP, 16), jnp.float32),
            pltpu.VMEM((GP, 16), jnp.float32),
        ],
    )
    def k(rois_hbm, ids_hbm, gt_hbm, out_hbm, coords_v, outb_v, gt_v, ids_v,
          a2_v, cnc_v, cc_v):
        wid = lax.axis_index("s") * 2 + lax.axis_index("c")
        base = wid * SLICE
        neg1 = jnp.full((16,), -1.0, jnp.float32)
        zero = jnp.zeros((16,), jnp.float32)
        izero = jnp.zeros((16,), jnp.int32)
        eps = jnp.full((16,), 1e-8, jnp.float32)
        half = jnp.full((16,), 0.5, jnp.float32)
        milli = jnp.full((16,), 0.001, jnp.float32)
        one = jnp.full((16,), 1.0, jnp.float32)
        two = jnp.full((16,), 2.0, jnp.float32)
        K = 4
        for b in range(Bs):
            pltpu.sync_copy(gt_hbm.at[b], gt_v)
            pltpu.sync_copy(ids_hbm.at[b], ids_v)
            pltpu.sync_copy(rois_hbm.at[b, :, pl.ds(base, SLICE)], coords_v)

            def prep_body(g, _):
                gy1 = gt_v[0, g]
                gx1 = gt_v[1, g]
                gy2 = gt_v[2, g]
                gx2 = gt_v[3, g]
                gid = ids_v[g]
                valid = ((gy1 != zero) | (gx1 != zero) |
                         (gy2 != zero) | (gx2 != zero))
                a2_v[g] = (gy2 - gy1) * (gx2 - gx1)
                cnc_v[g] = jnp.where(valid & (gid > izero), two, neg1)
                cc_v[g] = jnp.where(valid & (gid < izero), two, neg1)
                return 0

            lax.fori_loop(0, GP, prep_body, 0)

            def group_body(j, _):
                off = j * 16 * K
                ys, xs, y2s, x2s, a1s = [], [], [], [], []
                for t in range(K):
                    o = off + t * 16
                    y1 = coords_v[0, pl.ds(o, 16)]
                    x1 = coords_v[1, pl.ds(o, 16)]
                    y2 = coords_v[2, pl.ds(o, 16)]
                    x2 = coords_v[3, pl.ds(o, 16)]
                    ys.append(y1)
                    xs.append(x1)
                    y2s.append(y2)
                    x2s.append(x2)
                    a1s.append((y2 - y1) * (x2 - x1))
                init = jnp.full((16,), -1.0, jnp.float32)

                def gt_body(g, carry):
                    accs = list(carry)
                    gy1 = gt_v[0, g]
                    gx1 = gt_v[1, g]
                    gy2 = gt_v[2, g]
                    gx2 = gt_v[3, g]
                    a2 = a2_v[g]
                    capnc = cnc_v[g]
                    capc = cc_v[g]
                    for t in range(K):
                        iy1 = jnp.maximum(ys[t], gy1)
                        ix1 = jnp.maximum(xs[t], gx1)
                        iy2 = jnp.minimum(y2s[t], gy2)
                        ix2 = jnp.minimum(x2s[t], gx2)
                        inter = (jnp.maximum(iy2 - iy1, zero) *
                                 jnp.maximum(ix2 - ix1, zero))
                        union = a1s[t] + a2 - inter
                        iou = inter / jnp.maximum(union, eps)
                        accs[2 * t] = jnp.maximum(
                            accs[2 * t], jnp.minimum(iou, capnc))
                        accs[2 * t + 1] = jnp.maximum(
                            accs[2 * t + 1], jnp.minimum(iou, capc))
                    return tuple(accs)

                accs = lax.fori_loop(0, GP, gt_body, (init,) * (2 * K),
                                     unroll=2)
                for t in range(K):
                    o = off + t * 16
                    nc, cb = accs[2 * t], accs[2 * t + 1]
                    rv = ((ys[t] != zero) | (xs[t] != zero) |
                          (y2s[t] != zero) | (x2s[t] != zero))
                    nc = jnp.where(rv, nc, neg1)
                    cb = jnp.where(rv, cb, neg1)
                    pos = jnp.where((nc >= half) & rv, one, zero)
                    neg = jnp.where((nc < half) & (cb < milli) & rv, one, zero)
                    outb_v[0, pl.ds(o, 16)] = nc
                    outb_v[1, pl.ds(o, 16)] = cb
                    outb_v[2, pl.ds(o, 16)] = pos
                    outb_v[3, pl.ds(o, 16)] = neg
                return 0

            lax.fori_loop(0, SLICE // (16 * K), group_body, 0)
            pltpu.sync_copy(outb_v, out_hbm.at[b, :, pl.ds(base, SLICE)])

    return k(rois_tp, gt_ids_b, gt_boxes_b)


def kernel(rois, gt_ids, gt_boxes):
    B, N, _ = rois.shape
    G = gt_boxes.shape[1]
    rois_t = jnp.transpose(rois, (0, 2, 1))
    bs = _B_SC
    bt = B - bs
    parts = []
    if bt > 0:
        parts.append(_tc_detection(rois_t[:bt], gt_ids[:bt], gt_boxes[:bt]))
    if bs > 0:
        NP = -(-N // (16 * _NW)) * (16 * _NW)
        rois_tp = jnp.pad(rois_t[bt:], ((0, 0), (0, 0), (0, NP - N)))
        ids_p = jnp.pad(gt_ids[bt:], ((0, 0), (0, _GP - G)))
        gts_p = jnp.pad(gt_boxes[bt:], ((0, 0), (0, _GP - G), (0, 0)))
        ids_b = jnp.broadcast_to(ids_p[:, :, None], (bs, _GP, 16))
        gts_b = jnp.broadcast_to(
            jnp.transpose(gts_p, (0, 2, 1))[:, :, :, None], (bs, 4, _GP, 16))
        parts.append(_sc_detection(rois_tp, ids_b, gts_b)[:, :, :N])
    if len(parts) == 1:
        return parts[0]
    return jnp.concatenate(parts, axis=0)

# --- scband reference (transcript-rebuilt; emitter-appended) ---
"""Pipeline reference for scband-detection-layer-8624294330475 (READ-ONLY COPY).

The authoritative reference and input builder live on the scoring server;
editing this copy changes nothing except your own understanding.
"""

import jax, jax.numpy as jnp
import numpy as np

B, N, G = 8, 20000, 100
ROI_PAD = 1000
GT_PAD = 20


def _make_boxes(raw):
    y1 = jnp.minimum(raw[..., 0], raw[..., 2])
    y2 = jnp.maximum(raw[..., 0], raw[..., 2])
    x1 = jnp.minimum(raw[..., 1], raw[..., 3])
    x2 = jnp.maximum(raw[..., 1], raw[..., 3])
    return jnp.stack([y1, x1, y2, x2], axis=-1)


def setup_inputs(seed: int = 0) -> dict:
    key = jax.random.key(seed)
    k1, k2, k3 = jax.random.split(key, 3)
    rois = _make_boxes(jax.random.uniform(k1, (B, N, 4), dtype=jnp.float32))
    # trailing zero padding, as consumed by remove_zero_padding
    rois = rois.at[:, N - ROI_PAD:, :].set(0.0)
    gt_boxes = _make_boxes(jax.random.uniform(k2, (B, G, 4), dtype=jnp.float32))
    gt_boxes = gt_boxes.at[:, G - GT_PAD:, :].set(0.0)
    # ids in [-2, 81): negative -> crowd boxes, positive -> real classes, 0 -> ignored
    gt_ids = jax.random.randint(k3, (B, G), -2, 81, dtype=jnp.int32)
    return {"rois": rois, "gt_ids": gt_ids, "gt_boxes": gt_boxes}


def _iou_overlap(b1, b2):
    # b1: [N,4], b2: [G,4] in (y1,x1,y2,x2)
    b1e = b1[:, None, :]
    b2e = b2[None, :, :]
    y1 = jnp.maximum(b1e[..., 0], b2e[..., 0])
    x1 = jnp.maximum(b1e[..., 1], b2e[..., 1])
    y2 = jnp.minimum(b1e[..., 2], b2e[..., 2])
    x2 = jnp.minimum(b1e[..., 3], b2e[..., 3])
    inter = jnp.maximum(y2 - y1, 0.0) * jnp.maximum(x2 - x1, 0.0)
    a1 = (b1e[..., 2] - b1e[..., 0]) * (b1e[..., 3] - b1e[..., 1])
    a2 = (b2e[..., 2] - b2e[..., 0]) * (b2e[..., 3] - b2e[..., 1])
    union = a1 + a2 - inter
    return inter / jnp.maximum(union, 1e-8)


def _detection_graph(rois, gt_ids, gt_boxes):
    # masked (static-shape) translation of remove_zero_padding + boolean_mask
    roi_valid = jnp.any(jnp.abs(rois) > 0, axis=-1)
    gt_valid = jnp.any(jnp.abs(gt_boxes) > 0, axis=-1)
    crowd_mask = gt_valid & (gt_ids < 0)
    non_crowd_mask = gt_valid & (gt_ids > 0)
    ious = _iou_overlap(rois, gt_boxes)  # [N, G]
    iou_nc = jnp.where(non_crowd_mask[None, :], ious, -1.0)
    iou_c = jnp.where(crowd_mask[None, :], ious, -1.0)
    nc_max = jnp.max(iou_nc, axis=1)
    c_max = jnp.max(iou_c, axis=1)
    nc_max = jnp.where(roi_valid, nc_max, -1.0)
    c_max = jnp.where(roi_valid, c_max, -1.0)
    # positive / negative proposal selection (as masks instead of dynamic tf.where ids)
    positive = (nc_max >= 0.5) & roi_valid
    negative = (nc_max < 0.5) & (c_max < 0.001) & roi_valid
    return jnp.stack([nc_max, c_max, positive.astype(jnp.float32), negative.astype(jnp.float32)], axis=0)


def reference(rois, gt_ids, gt_boxes):
    # batch_slice over IMAGES_PER_GPU -> vmap over batch
    return jax.vmap(_detection_graph)(rois, gt_ids, gt_boxes)  # [B, 4, N]

if __name__ == "__main__":
    import jax
    _d = setup_inputs()
    print(jax.jit(kernel)(*tuple(_d.values())))

</pallas_src>

<mosaic_0001>
#map = affine_map<(d0, d1) -> (0, 0, 0)>
#map1 = affine_map<(d0, d1) -> (0, 0, 0, 0)>
module attributes {stable_mosaic.version = 14 : i64} {
  func.func @k(%arg0: i32, %arg1: i32, %arg2: memref<1x4x20480xf32, #tpu.memory_space<hbm>>, %arg3: memref<1x104x16xi32, #tpu.memory_space<hbm>>, %arg4: memref<1x4x104x16xf32, #tpu.memory_space<hbm>>, %arg5: memref<1x4x20480xf32, #tpu.memory_space<hbm>>, %arg6: memref<4x640xf32, #tpu.memory_space<vmem>>, %arg7: memref<4x640xf32, #tpu.memory_space<vmem>>, %arg8: memref<4x104x16xf32, #tpu.memory_space<vmem>>, %arg9: memref<104x16xi32, #tpu.memory_space<vmem>>, %arg10: memref<104x16xf32, #tpu.memory_space<vmem>>, %arg11: memref<104x16xf32, #tpu.memory_space<vmem>>, %arg12: memref<104x16xf32, #tpu.memory_space<vmem>>) attributes {dimension_semantics = [#tpu.dimension_semantics<core_parallel>, #tpu.dimension_semantics<subcore_parallel>], iteration_bounds = array<i64: 2, 16>, scalar_prefetch = 0 : i64, scratch_operands = 7 : i64, tpu.core_type = #tpu.core_type<sc_vector_subcore>, window_params = [{transform_indices = #map}, {transform_indices = #map}, {transform_indices = #map1}, {transform_indices = #map}]} {
    %mul3A = arith.constant 2 : i32
    %mul3A_0 = arith.muli %arg1, %mul3A : i32
    %add3A = arith.addi %mul3A_0, %arg0 : i32
    %mul3A_1 = arith.constant 640 : i32
    %mul3A_2 = arith.muli %add3A, %mul3A_1 : i32
    %broadcast_in_dim3A = arith.constant -1.000000e+00 : f32
    %broadcast_in_dim3A_3 = vector.broadcast %broadcast_in_dim3A : f32 to vector<16xf32>
    %broadcast_in_dim3A_4 = arith.constant 0.000000e+00 : f32
    %broadcast_in_dim3A_5 = vector.broadcast %broadcast_in_dim3A_4 : f32 to vector<16xf32>
    %broadcast_in_dim3A_6 = arith.constant 0 : i32
    %broadcast_in_dim3A_7 = vector.broadcast %broadcast_in_dim3A_6 : i32 to vector<16xi32>
    %broadcast_in_dim3A_8 = arith.constant 9.99999993E-9 : f32
    %broadcast_in_dim3A_9 = vector.broadcast %broadcast_in_dim3A_8 : f32 to vector<16xf32>
    %broadcast_in_dim3A_10 = arith.constant 5.000000e-01 : f32
    %broadcast_in_dim3A_11 = vector.broadcast %broadcast_in_dim3A_10 : f32 to vector<16xf32>
    %broadcast_in_dim3A_12 = arith.constant 1.000000e-03 : f32
    %broadcast_in_dim3A_13 = vector.broadcast %broadcast_in_dim3A_12 : f32 to vector<16xf32>
    %broadcast_in_dim3A_14 = arith.constant 1.000000e+00 : f32
    %broadcast_in_dim3A_15 = vector.broadcast %broadcast_in_dim3A_14 : f32 to vector<16xf32>
    %broadcast_in_dim3A_16 = arith.constant 2.000000e+00 : f32
    %broadcast_in_dim3A_17 = vector.broadcast %broadcast_in_dim3A_16 : f32 to vector<16xf32>
    %run_scoped3A = arith.constant 0 : i32
    "tpu.region"() ({
      %run_scoped3A_34 = tpu.sem_alloc : memref<!tpu.dma_semaphore, #tpu.memory_space<semaphore_mem>>
      %dma_start3A = arith.constant 0 : i32
      %dma_start3A_35 = arith.constant 0 : i32
      %dma_start3A_36 = arith.constant 0 : i32
      %dma_start3A_37 = tpu.memref_slice %arg4[%run_scoped3A, %dma_start3A, %dma_start3A_35, %dma_start3A_36] : memref<1x4x104x16xf32, #tpu.memory_space<hbm>> -> memref<1x4x104x16xf32, #tpu.memory_space<hbm>>
      %dma_start3A_38 = tpu.memref_squeeze %dma_start3A_37 : memref<1x4x104x16xf32, #tpu.memory_space<hbm>> -> memref<4x104x16xf32, #tpu.memory_space<hbm>>
      %dma_start3A_39 = arith.constant 0 : i32
      %dma_start3A_40 = arith.constant 0 : i32
      %dma_start3A_41 = arith.constant 0 : i32
      %dma_start3A_42 = tpu.memref_slice %arg4[%run_scoped3A, %dma_start3A_39, %dma_start3A_40, %dma_start3A_41] : memref<1x4x104x16xf32, #tpu.memory_space<hbm>> -> memref<1x4x104x16xf32, #tpu.memory_space<hbm>>
      %dma_start3A_43 = tpu.memref_squeeze %dma_start3A_42 : memref<1x4x104x16xf32, #tpu.memory_space<hbm>> -> memref<4x104x16xf32, #tpu.memory_space<hbm>>
      tpu.enqueue_dma source(%dma_start3A_43 : memref<4x104x16xf32, #tpu.memory_space<hbm>>) target(%arg8 : memref<4x104x16xf32, #tpu.memory_space<vmem>>) target_semaphore(%run_scoped3A_34 : memref<!tpu.dma_semaphore, #tpu.memory_space<semaphore_mem>>)
      %dma_wait3A = arith.constant 0 : i32
      %dma_wait3A_44 = arith.constant 0 : i32
      %dma_wait3A_45 = arith.constant 0 : i32
      %dma_wait3A_46 = tpu.memref_slice %arg4[%run_scoped3A, %dma_wait3A, %dma_wait3A_44, %dma_wait3A_45] : memref<1x4x104x16xf32, #tpu.memory_space<hbm>> -> memref<1x4x104x16xf32, #tpu.memory_space<hbm>>
      %dma_wait3A_47 = tpu.memref_squeeze %dma_wait3A_46 : memref<1x4x104x16xf32, #tpu.memory_space<hbm>> -> memref<4x104x16xf32, #tpu.memory_space<hbm>>
      %dma_wait3A_48 = arith.constant 0 : i32
      %dma_wait3A_49 = arith.constant 0 : i32
      %dma_wait3A_50 = arith.constant 0 : i32
      %dma_wait3A_51 = tpu.memref_slice %arg4[%run_scoped3A, %dma_wait3A_48, %dma_wait3A_49, %dma_wait3A_50] : memref<1x4x104x16xf32, #tpu.memory_space<hbm>> -> memref<1x4x104x16xf32, #tpu.memory_space<hbm>>
      %dma_wait3A_52 = tpu.memref_squeeze %dma_wait3A_51 : memref<1x4x104x16xf32, #tpu.memory_space<hbm>> -> memref<4x104x16xf32, #tpu.memory_space<hbm>>
      tpu.wait_dma2 semaphore(%run_scoped3A_34 : memref<!tpu.dma_semaphore, #tpu.memory_space<semaphore_mem>>) src(%dma_wait3A_52 : memref<4x104x16xf32, #tpu.memory_space<hbm>>) dst(%arg8 : memref<4x104x16xf32, #tpu.memory_space<vmem>>)
      tpu.yield
    }) : () -> ()
    %run_scoped3A_18 = arith.constant 0 : i32
    "tpu.region"() ({
      %run_scoped3A_34 = tpu.sem_alloc : memref<!tpu.dma_semaphore, #tpu.memory_space<semaphore_mem>>
      %dma_start3A = arith.constant 0 : i32
      %dma_start3A_35 = arith.constant 0 : i32
      %dma_start3A_36 = tpu.memref_slice %arg3[%run_scoped3A_18, %dma_start3A, %dma_start3A_35] : memref<1x104x16xi32, #tpu.memory_space<hbm>> -> memref<1x104x16xi32, #tpu.memory_space<hbm>>
      %dma_start3A_37 = tpu.memref_squeeze %dma_start3A_36 : memref<1x104x16xi32, #tpu.memory_space<hbm>> -> memref<104x16xi32, #tpu.memory_space<hbm>>
      %dma_start3A_38 = arith.constant 0 : i32
      %dma_start3A_39 = arith.constant 0 : i32
      %dma_start3A_40 = tpu.memref_slice %arg3[%run_scoped3A_18, %dma_start3A_38, %dma_start3A_39] : memref<1x104x16xi32, #tpu.memory_space<hbm>> -> memref<1x104x16xi32, #tpu.memory_space<hbm>>
      %dma_start3A_41 = tpu.memref_squeeze %dma_start3A_40 : memref<1x104x16xi32, #tpu.memory_space<hbm>> -> memref<104x16xi32, #tpu.memory_space<hbm>>
      tpu.enqueue_dma source(%dma_start3A_41 : memref<104x16xi32, #tpu.memory_space<hbm>>) target(%arg9 : memref<104x16xi32, #tpu.memory_space<vmem>>) target_semaphore(%run_scoped3A_34 : memref<!tpu.dma_semaphore, #tpu.memory_space<semaphore_mem>>)
      %dma_wait3A = arith.constant 0 : i32
      %dma_wait3A_42 = arith.constant 0 : i32
      %dma_wait3A_43 = tpu.memref_slice %arg3[%run_scoped3A_18, %dma_wait3A, %dma_wait3A_42] : memref<1x104x16xi32, #tpu.memory_space<hbm>> -> memref<1x104x16xi32, #tpu.memory_space<hbm>>
      %dma_wait3A_44 = tpu.memref_squeeze %dma_wait3A_43 : memref<1x104x16xi32, #tpu.memory_space<hbm>> -> memref<104x16xi32, #tpu.memory_space<hbm>>
      %dma_wait3A_45 = arith.constant 0 : i32
      %dma_wait3A_46 = arith.constant 0 : i32
      %dma_wait3A_47 = tpu.memref_slice %arg3[%run_scoped3A_18, %dma_wait3A_45, %dma_wait3A_46] : memref<1x104x16xi32, #tpu.memory_space<hbm>> -> memref<1x104x16xi32, #tpu.memory_space<hbm>>
      %dma_wait3A_48 = tpu.memref_squeeze %dma_wait3A_47 : memref<1x104x16xi32, #tpu.memory_space<hbm>> -> memref<104x16xi32, #tpu.memory_space<hbm>>
      tpu.wait_dma2 semaphore(%run_scoped3A_34 : memref<!tpu.dma_semaphore, #tpu.memory_space<semaphore_mem>>) src(%dma_wait3A_48 : memref<104x16xi32, #tpu.memory_space<hbm>>) dst(%arg9 : memref<104x16xi32, #tpu.memory_space<vmem>>)
      tpu.yield
    }) : () -> ()
    %run_scoped3A_19 = arith.constant 0 : i32
    "tpu.region"() ({
      %run_scoped3A_34 = tpu.sem_alloc : memref<!tpu.dma_semaphore, #tpu.memory_space<semaphore_mem>>
      %dma_start3A = arith.constant 0 : i32
      %dma_start3A_35 = tpu.memref_slice %arg2[%run_scoped3A_19, %dma_start3A, %mul3A_2] : memref<1x4x20480xf32, #tpu.memory_space<hbm>> -> memref<1x4x640xf32, #tpu.memory_space<hbm>>
      %dma_start3A_36 = tpu.memref_squeeze %dma_start3A_35 : memref<1x4x640xf32, #tpu.memory_space<hbm>> -> memref<4x640xf32, #tpu.memory_space<hbm>>
      %dma_start3A_37 = arith.constant 0 : i32
      %dma_start3A_38 = tpu.memref_slice %arg2[%run_scoped3A_19, %dma_start3A_37, %mul3A_2] : memref<1x4x20480xf32, #tpu.memory_space<hbm>> -> memref<1x4x640xf32, #tpu.memory_space<hbm>>
      %dma_start3A_39 = tpu.memref_squeeze %dma_start3A_38 : memref<1x4x640xf32, #tpu.memory_space<hbm>> -> memref<4x640xf32, #tpu.memory_space<hbm>>
      tpu.enqueue_dma source(%dma_start3A_39 : memref<4x640xf32, #tpu.memory_space<hbm>>) target(%arg6 : memref<4x640xf32, #tpu.memory_space<vmem>>) target_semaphore(%run_scoped3A_34 : memref<!tpu.dma_semaphore, #tpu.memory_space<semaphore_mem>>)
      %dma_wait3A = arith.constant 0 : i32
      %dma_wait3A_40 = tpu.memref_slice %arg2[%run_scoped3A_19, %dma_wait3A, %mul3A_2] : memref<1x4x20480xf32, #tpu.memory_space<hbm>> -> memref<1x4x640xf32, #tpu.memory_space<hbm>>
      %dma_wait3A_41 = tpu.memref_squeeze %dma_wait3A_40 : memref<1x4x640xf32, #tpu.memory_space<hbm>> -> memref<4x640xf32, #tpu.memory_space<hbm>>
      %dma_wait3A_42 = arith.constant 0 : i32
      %dma_wait3A_43 = tpu.memref_slice %arg2[%run_scoped3A_19, %dma_wait3A_42, %mul3A_2] : memref<1x4x20480xf32, #tpu.memory_space<hbm>> -> memref<1x4x640xf32, #tpu.memory_space<hbm>>
      %dma_wait3A_44 = tpu.memref_squeeze %dma_wait3A_43 : memref<1x4x640xf32, #tpu.memory_space<hbm>> -> memref<4x640xf32, #tpu.memory_space<hbm>>
      tpu.wait_dma2 semaphore(%run_scoped3A_34 : memref<!tpu.dma_semaphore, #tpu.memory_space<semaphore_mem>>) src(%dma_wait3A_44 : memref<4x640xf32, #tpu.memory_space<hbm>>) dst(%arg6 : memref<4x640xf32, #tpu.memory_space<vmem>>)
      tpu.yield
    }) : () -> ()
    %scan3A = arith.constant 0 : i32
    %scan3A_20 = arith.constant 0 : i32
    %scan3A_21 = arith.constant 104 : i32
    %scan3A_22 = arith.addi %scan3A_20, %scan3A_21 : i32
    %scan3A_23 = arith.constant 1 : i32
    %scan3A_24 = scf.for %scan3A_34 = %scan3A_20 to %scan3A_22 step %scan3A_23 iter_args(%scan3A_35 = %scan3A) -> (i32)  : i32 {
      %get3A = arith.constant 0 : i32
      %get3A_36 = arith.index_cast %get3A : i32 to index
      %get3A_37 = arith.index_cast %scan3A_34 : i32 to index
      %get3A_38 = arith.constant 0 : index
      %get3A_39 = tpu.vector_load %arg8[%get3A_36, %get3A_37, %get3A_38] {strides = array<i32>} : memref<4x104x16xf32, #tpu.memory_space<vmem>>, vector<1x1x16xf32>,
      %get3A_40 = vector.shape_cast %get3A_39 : vector<1x1x16xf32> to vector<16xf32>
      %get3A_41 = arith.constant 1 : i32
      %get3A_42 = arith.index_cast %get3A_41 : i32 to index
      %get3A_43 = arith.index_cast %scan3A_34 : i32 to index
      %get3A_44 = arith.constant 0 : index
      %get3A_45 = tpu.vector_load %arg8[%get3A_42, %get3A_43, %get3A_44] {strides = array<i32>} : memref<4x104x16xf32, #tpu.memory_space<vmem>>, vector<1x1x16xf32>,
      %get3A_46 = vector.shape_cast %get3A_45 : vector<1x1x16xf32> to vector<16xf32>
      %get3A_47 = arith.constant 2 : i32
      %get3A_48 = arith.index_cast %get3A_47 : i32 to index
      %get3A_49 = arith.index_cast %scan3A_34 : i32 to index
      %get3A_50 = arith.constant 0 : index
      %get3A_51 = tpu.vector_load %arg8[%get3A_48, %get3A_49, %get3A_50] {strides = array<i32>} : memref<4x104x16xf32, #tpu.memory_space<vmem>>, vector<1x1x16xf32>,
      %get3A_52 = vector.shape_cast %get3A_51 : vector<1x1x16xf32> to vector<16xf32>
      %get3A_53 = arith.constant 3 : i32
      %get3A_54 = arith.index_cast %get3A_53 : i32 to index
      %get3A_55 = arith.index_cast %scan3A_34 : i32 to index
      %get3A_56 = arith.constant 0 : index
      %get3A_57 = tpu.vector_load %arg8[%get3A_54, %get3A_55, %get3A_56] {strides = array<i32>} : memref<4x104x16xf32, #tpu.memory_space<vmem>>, vector<1x1x16xf32>,
      %get3A_58 = vector.shape_cast %get3A_57 : vector<1x1x16xf32> to vector<16xf32>
      %get3A_59 = arith.index_cast %scan3A_34 : i32 to index
      %get3A_60 = arith.constant 0 : index
      %get3A_61 = tpu.vector_load %arg9[%get3A_59, %get3A_60] {strides = array<i32>} : memref<104x16xi32, #tpu.memory_space<vmem>>, vector<1x16xi32>,
      %get3A_62 = vector.shape_cast %get3A_61 : vector<1x16xi32> to vector<16xi32>
      %ne3A = arith.cmpf one, %get3A_40, %broadcast_in_dim3A_5 : vector<16xf32>
      %ne3A_63 = arith.cmpf one, %get3A_46, %broadcast_in_dim3A_5 : vector<16xf32>
      %or3A = arith.ori %ne3A, %ne3A_63 : vector<16xi1>
      %ne3A_64 = arith.cmpf one, %get3A_52, %broadcast_in_dim3A_5 : vector<16xf32>
      %or3A_65 = arith.ori %or3A, %ne3A_64 : vector<16xi1>
      %ne3A_66 = arith.cmpf one, %get3A_58, %broadcast_in_dim3A_5 : vector<16xf32>
      %or3A_67 = arith.ori %or3A_65, %ne3A_66 : vector<16xi1>
      %sub3A = arith.subf %get3A_52, %get3A_40 : vector<16xf32>
      %sub3A_68 = arith.subf %get3A_58, %get3A_46 : vector<16xf32>
      %mul3A_69 = arith.mulf %sub3A, %sub3A_68 : vector<16xf32>
      %swap3A = arith.index_cast %scan3A_34 : i32 to index
      %swap3A_70 = arith.constant 0 : index
      %swap3A_71 = tpu.vector_load %arg10[%swap3A, %swap3A_70] {strides = array<i32>} : memref<104x16xf32, #tpu.memory_space<vmem>>, vector<1x16xf32>,
      %swap3A_72 = vector.shape_cast %swap3A_71 : vector<1x16xf32> to vector<16xf32>
      %swap3A_73 = vector.shape_cast %mul3A_69 : vector<16xf32> to vector<1x16xf32>
      tpu.vector_store %arg10[%swap3A, %swap3A_70], %swap3A_73 {strides = array<i32>} : memref<104x16xf32, #tpu.memory_space<vmem>>, vector<1x16xf32>,
      %gt3A = arith.cmpi sgt, %get3A_62, %broadcast_in_dim3A_7 : vector<16xi32>
      %and3A = arith.andi %or3A_67, %gt3A : vector<16xi1>
      %select_n3A = arith.select %and3A, %broadcast_in_dim3A_17, %broadcast_in_dim3A_3 : vector<16xi1>, vector<16xf32>
      %swap3A_74 = arith.index_cast %scan3A_34 : i32 to index
      %swap3A_75 = arith.constant 0 : index
      %swap3A_76 = tpu.vector_load %arg11[%swap3A_74, %swap3A_75] {strides = array<i32>} : memref<104x16xf32, #tpu.memory_space<vmem>>, vector<1x16xf32>,
      %swap3A_77 = vector.shape_cast %swap3A_76 : vector<1x16xf32> to vector<16xf32>
      %swap3A_78 = vector.shape_cast %select_n3A : vector<16xf32> to vector<1x16xf32>
      tpu.vector_store %arg11[%swap3A_74, %swap3A_75], %swap3A_78 {strides = array<i32>} : memref<104x16xf32, #tpu.memory_space<vmem>>, vector<1x16xf32>,
      %lt3A = arith.cmpi slt, %get3A_62, %broadcast_in_dim3A_7 : vector<16xi32>
      %and3A_79 = arith.andi %or3A_67, %lt3A : vector<16xi1>
      %select_n3A_80 = arith.select %and3A_79, %broadcast_in_dim3A_17, %broadcast_in_dim3A_3 : vector<16xi1>, vector<16xf32>
      %swap3A_81 = arith.index_cast %scan3A_34 : i32 to index
      %swap3A_82 = arith.constant 0 : index
      %swap3A_83 = tpu.vector_load %arg12[%swap3A_81, %swap3A_82] {strides = array<i32>} : memref<104x16xf32, #tpu.memory_space<vmem>>, vector<1x16xf32>,
      %swap3A_84 = vector.shape_cast %swap3A_83 : vector<1x16xf32> to vector<16xf32>
      %swap3A_85 = vector.shape_cast %select_n3A_80 : vector<16xf32> to vector<1x16xf32>
      tpu.vector_store %arg12[%swap3A_81, %swap3A_82], %swap3A_85 {strides = array<i32>} : memref<104x16xf32, #tpu.memory_space<vmem>>, vector<1x16xf32>,
      %scan3A_86 = arith.constant 0 : i32
      scf.yield %scan3A_86 : i32
    }
    %scan3A_25 = arith.constant 104 : i32
    %scan3A_26 = arith.constant 0 : i32
    %scan3A_27 = arith.constant 0 : i32
    %scan3A_28 = arith.constant 10 : i32
    %scan3A_29 = arith.addi %scan3A_27, %scan3A_28 : i32
    %scan3A_30 = arith.constant 1 : i32
    %scan3A_31 = scf.for %scan3A_34 = %scan3A_27 to %scan3A_29 step %scan3A_30 iter_args(%scan3A_35 = %scan3A_26) -> (i32)  : i32 {
      %mul3A_36 = arith.constant 16 : i32
      %mul3A_37 = arith.muli %scan3A_34, %mul3A_36 : i32
      %mul3A_38 = arith.constant 4 : i32
      %mul3A_39 = arith.muli %mul3A_37, %mul3A_38 : i32
      %add3A_40 = arith.constant 0 : i32
      %add3A_41 = arith.addi %mul3A_39, %add3A_40 : i32
      %get3A = arith.constant 0 : i32
      %get3A_42 = arith.index_cast %get3A : i32 to index
      %get3A_43 = arith.index_cast %add3A_41 : i32 to index
      %get3A_44 = tpu.vector_load %arg6[%get3A_42, %get3A_43] {strides = array<i32>} : memref<4x640xf32, #tpu.memory_space<vmem>>, vector<1x16xf32>,
      %get3A_45 = vector.shape_cast %get3A_44 : vector<1x16xf32> to vector<16xf32>
      %get3A_46 = arith.constant 1 : i32
      %get3A_47 = arith.index_cast %get3A_46 : i32 to index
      %get3A_48 = arith.index_cast %add3A_41 : i32 to index
      %get3A_49 = tpu.vector_load %arg6[%get3A_47, %get3A_48] {strides = array<i32>} : memref<4x640xf32, #tpu.memory_space<vmem>>, vector<1x16xf32>,
      %get3A_50 = vector.shape_cast %get3A_49 : vector<1x16xf32> to vector<16xf32>
      %get3A_51 = arith.constant 2 : i32
      %get3A_52 = arith.index_cast %get3A_51 : i32 to index
      %get3A_53 = arith.index_cast %add3A_41 : i32 to index
      %get3A_54 = tpu.vector_load %arg6[%get3A_52, %get3A_53] {strides = array<i32>} : memref<4x640xf32, #tpu.memory_space<vmem>>, vector<1x16xf32>,
      %get3A_55 = vector.shape_cast %get3A_54 : vector<1x16xf32> to vector<16xf32>
      %get3A_56 = arith.constant 3 : i32
      %get3A_57 = arith.index_cast %get3A_56 : i32 to index
      %get3A_58 = arith.index_cast %add3A_41 : i32 to index
      %get3A_59 = tpu.vector_load %arg6[%get3A_57, %get3A_58] {strides = array<i32>} : memref<4x640xf32, #tpu.memory_space<vmem>>, vector<1x16xf32>,
      %get3A_60 = vector.shape_cast %get3A_59 : vector<1x16xf32> to vector<16xf32>
      %sub3A = arith.subf %get3A_55, %get3A_45 : vector<16xf32>
      %sub3A_61 = arith.subf %get3A_60, %get3A_50 : vector<16xf32>
      %mul3A_62 = arith.mulf %sub3A, %sub3A_61 : vector<16xf32>
      %add3A_63 = arith.constant 16 : i32
      %add3A_64 = arith.addi %mul3A_39, %add3A_63 : i32
      %get3A_65 = arith.constant 0 : i32
      %get3A_66 = arith.index_cast %get3A_65 : i32 to index
      %get3A_67 = arith.index_cast %add3A_64 : i32 to index
      %get3A_68 = tpu.vector_load %arg6[%get3A_66, %get3A_67] {strides = array<i32>} : memref<4x640xf32, #tpu.memory_space<vmem>>, vector<1x16xf32>,
      %get3A_69 = vector.shape_cast %get3A_68 : vector<1x16xf32> to vector<16xf32>
      %get3A_70 = arith.constant 1 : i32
      %get3A_71 = arith.index_cast %get3A_70 : i32 to index
      %get3A_72 = arith.index_cast %add3A_64 : i32 to index
      %get3A_73 = tpu.vector_load %arg6[%get3A_71, %get3A_72] {strides = array<i32>} : memref<4x640xf32, #tpu.memory_space<vmem>>, vector<1x16xf32>,
      %get3A_74 = vector.shape_cast %get3A_73 : vector<1x16xf32> to vector<16xf32>
      %get3A_75 = arith.constant 2 : i32
      %get3A_76 = arith.index_cast %get3A_75 : i32 to index
      %get3A_77 = arith.index_cast %add3A_64 : i32 to index
      %get3A_78 = tpu.vector_load %arg6[%get3A_76, %get3A_77] {strides = array<i32>} : memref<4x640xf32, #tpu.memory_space<vmem>>, vector<1x16xf32>,
      %get3A_79 = vector.shape_cast %get3A_78 : vector<1x16xf32> to vector<16xf32>
      %get3A_80 = arith.constant 3 : i32
      %get3A_81 = arith.index_cast %get3A_80 : i32 to index
      %get3A_82 = arith.index_cast %add3A_64 : i32 to index
      %get3A_83 = tpu.vector_load %arg6[%get3A_81, %get3A_82] {strides = array<i32>} : memref<4x640xf32, #tpu.memory_space<vmem>>, vector<1x16xf32>,
      %get3A_84 = vector.shape_cast %get3A_83 : vector<1x16xf32> to vector<16xf32>
      %sub3A_85 = arith.subf %get3A_79, %get3A_69 : vector<16xf32>
      %sub3A_86 = arith.subf %get3A_84, %get3A_74 : vector<16xf32>
      %mul3A_87 = arith.mulf %sub3A_85, %sub3A_86 : vector<16xf32>
      %add3A_88 = arith.constant 32 : i32
      %add3A_89 = arith.addi %mul3A_39, %add3A_88 : i32
      %get3A_90 = arith.constant 0 : i32
      %get3A_91 = arith.index_cast %get3A_90 : i32 to index
      %get3A_92 = arith.index_cast %add3A_89 : i32 to index
      %get3A_93 = tpu.vector_load %arg6[%get3A_91, %get3A_92] {strides = array<i32>} : memref<4x640xf32, #tpu.memory_space<vmem>>, vector<1x16xf32>,
      %get3A_94 = vector.shape_cast %get3A_93 : vector<1x16xf32> to vector<16xf32>
      %get3A_95 = arith.constant 1 : i32
      %get3A_96 = arith.index_cast %get3A_95 : i32 to index
      %get3A_97 = arith.index_cast %add3A_89 : i32 to index
      %get3A_98 = tpu.vector_load %arg6[%get3A_96, %get3A_97] {strides = array<i32>} : memref<4x640xf32, #tpu.memory_space<vmem>>, vector<1x16xf32>,
      %get3A_99 = vector.shape_cast %get3A_98 : vector<1x16xf32> to vector<16xf32>
      %get3A_100 = arith.constant 2 : i32
      %get3A_101 = arith.index_cast %get3A_100 : i32 to index
      %get3A_102 = arith.index_cast %add3A_89 : i32 to index
      %get3A_103 = tpu.vector_load %arg6[%get3A_101, %get3A_102] {strides = array<i32>} : memref<4x640xf32, #tpu.memory_space<vmem>>, vector<1x16xf32>,
      %get3A_104 = vector.shape_cast %get3A_103 : vector<1x16xf32> to vector<16xf32>
      %get3A_105 = arith.constant 3 : i32
      %get3A_106 = arith.index_cast %get3A_105 : i32 to index
      %get3A_107 = arith.index_cast %add3A_89 : i32 to index
      %get3A_108 = tpu.vector_load %arg6[%get3A_106, %get3A_107] {strides = array<i32>} : memref<4x640xf32, #tpu.memory_space<vmem>>, vector<1x16xf32>,
      %get3A_109 = vector.shape_cast %get3A_108 : vector<1x16xf32> to vector<16xf32>
      %sub3A_110 = arith.subf %get3A_104, %get3A_94 : vector<16xf32>
      %sub3A_111 = arith.subf %get3A_109, %get3A_99 : vector<16xf32>
      %mul3A_112 = arith.mulf %sub3A_110, %sub3A_111 : vector<16xf32>
      %add3A_113 = arith.constant 48 : i32
      %add3A_114 = arith.addi %mul3A_39, %add3A_113 : i32
      %get3A_115 = arith.constant 0 : i32
      %get3A_116 = arith.index_cast %get3A_115 : i32 to index
      %get3A_117 = arith.index_cast %add3A_114 : i32 to index
      %get3A_118 = tpu.vector_load %arg6[%get3A_116, %get3A_117] {strides = array<i32>} : memref<4x640xf32, #tpu.memory_space<vmem>>, vector<1x16xf32>,
      %get3A_119 = vector.shape_cast %get3A_118 : vector<1x16xf32> to vector<16xf32>
      %get3A_120 = arith.constant 1 : i32
      %get3A_121 = arith.index_cast %get3A_120 : i32 to index
      %get3A_122 = arith.index_cast %add3A_114 : i32 to index
      %get3A_123 = tpu.vector_load %arg6[%get3A_121, %get3A_122] {strides = array<i32>} : memref<4x640xf32, #tpu.memory_space<vmem>>, vector<1x16xf32>,
      %get3A_124 = vector.shape_cast %get3A_123 : vector<1x16xf32> to vector<16xf32>
      %get3A_125 = arith.constant 2 : i32
      %get3A_126 = arith.index_cast %get3A_125 : i32 to index
      %get3A_127 = arith.index_cast %add3A_114 : i32 to index
      %get3A_128 = tpu.vector_load %arg6[%get3A_126, %get3A_127] {strides = array<i32>} : memref<4x640xf32, #tpu.memory_space<vmem>>, vector<1x16xf32>,
      %get3A_129 = vector.shape_cast %get3A_128 : vector<1x16xf32> to vector<16xf32>
      %get3A_130 = arith.constant 3 : i32
      %get3A_131 = arith.index_cast %get3A_130 : i32 to index
      %get3A_132 = arith.index_cast %add3A_114 : i32 to index
      %get3A_133 = tpu.vector_load %arg6[%get3A_131, %get3A_132] {strides = array<i32>} : memref<4x640xf32, #tpu.memory_space<vmem>>, vector<1x16xf32>,
      %get3A_134 = vector.shape_cast %get3A_133 : vector<1x16xf32> to vector<16xf32>
      %sub3A_135 = arith.subf %get3A_129, %get3A_119 : vector<16xf32>
      %sub3A_136 = arith.subf %get3A_134, %get3A_124 : vector<16xf32>
      %mul3A_137 = arith.mulf %sub3A_135, %sub3A_136 : vector<16xf32>
      %broadcast_in_dim3A_138 = arith.constant -1.000000e+00 : f32
      %broadcast_in_dim3A_139 = vector.broadcast %broadcast_in_dim3A_138 : f32 to vector<16xf32>
      %scan3A_140 = arith.constant 0 : i32
      %scan3A_141 = arith.constant 104 : i32
      %scan3A_142 = arith.addi %scan3A_140, %scan3A_141 : i32
      %scan3A_143 = arith.constant 2 : i32
      %scan3A_144:8 = scf.for %scan3A_312 = %scan3A_140 to %scan3A_142 step %scan3A_143 iter_args(%scan3A_313 = %broadcast_in_dim3A_139, %scan3A_314 = %broadcast_in_dim3A_139, %scan3A_315 = %broadcast_in_dim3A_139, %scan3A_316 = %broadcast_in_dim3A_139, %scan3A_317 = %broadcast_in_dim3A_139, %scan3A_318 = %broadcast_in_dim3A_139, %scan3A_319 = %broadcast_in_dim3A_139, %scan3A_320 = %broadcast_in_dim3A_139) -> (vector<16xf32>, vector<16xf32>, vector<16xf32>, vector<16xf32>, vector<16xf32>, vector<16xf32>, vector<16xf32>, vector<16xf32>)  : i32 {
        %get3A_321 = arith.constant 0 : i32
        %get3A_322 = arith.index_cast %get3A_321 : i32 to index
        %get3A_323 = arith.index_cast %scan3A_312 : i32 to index
        %get3A_324 = arith.constant 0 : index
        %get3A_325 = tpu.vector_load %arg8[%get3A_322, %get3A_323, %get3A_324] {strides = array<i32>} : memref<4x104x16xf32, #tpu.memory_space<vmem>>, vector<1x1x16xf32>,
        %get3A_326 = vector.shape_cast %get3A_325 : vector<1x1x16xf32> to vector<16xf32>
        %get3A_327 = arith.constant 1 : i32
        %get3A_328 = arith.index_cast %get3A_327 : i32 to index
        %get3A_329 = arith.index_cast %scan3A_312 : i32 to index
        %get3A_330 = arith.constant 0 : index
        %get3A_331 = tpu.vector_load %arg8[%get3A_328, %get3A_329, %get3A_330] {strides = array<i32>} : memref<4x104x16xf32, #tpu.memory_space<vmem>>, vector<1x1x16xf32>,
        %get3A_332 = vector.shape_cast %get3A_331 : vector<1x1x16xf32> to vector<16xf32>
        %get3A_333 = arith.constant 2 : i32
        %get3A_334 = arith.index_cast %get3A_333 : i32 to index
        %get3A_335 = arith.index_cast %scan3A_312 : i32 to index
        %get3A_336 = arith.constant 0 : index
        %get3A_337 = tpu.vector_load %arg8[%get3A_334, %get3A_335, %get3A_336] {strides = array<i32>} : memref<4x104x16xf32, #tpu.memory_space<vmem>>, vector<1x1x16xf32>,
        %get3A_338 = vector.shape_cast %get3A_337 : vector<1x1x16xf32> to vector<16xf32>
        %get3A_339 = arith.constant 3 : i32
        %get3A_340 = arith.index_cast %get3A_339 : i32 to index
        %get3A_341 = arith.index_cast %scan3A_312 : i32 to index
        %get3A_342 = arith.constant 0 : index
        %get3A_343 = tpu.vector_load %arg8[%get3A_340, %get3A_341, %get3A_342] {strides = array<i32>} : memref<4x104x16xf32, #tpu.memory_space<vmem>>, vector<1x1x16xf32>,
        %get3A_344 = vector.shape_cast %get3A_343 : vector<1x1x16xf32> to vector<16xf32>
        %get3A_345 = arith.index_cast %scan3A_312 : i32 to index
        %get3A_346 = arith.constant 0 : index
        %get3A_347 = tpu.vector_load %arg10[%get3A_345, %get3A_346] {strides = array<i32>} : memref<104x16xf32, #tpu.memory_space<vmem>>, vector<1x16xf32>,
        %get3A_348 = vector.shape_cast %get3A_347 : vector<1x16xf32> to vector<16xf32>
        %get3A_349 = arith.index_cast %scan3A_312 : i32 to index
        %get3A_350 = arith.constant 0 : index
        %get3A_351 = tpu.vector_load %arg11[%get3A_349, %get3A_350] {strides = array<i32>} : memref<104x16xf32, #tpu.memory_space<vmem>>, vector<1x16xf32>,
        %get3A_352 = vector.shape_cast %get3A_351 : vector<1x16xf32> to vector<16xf32>
        %get3A_353 = arith.index_cast %scan3A_312 : i32 to index
        %get3A_354 = arith.constant 0 : index
        %get3A_355 = tpu.vector_load %arg12[%get3A_353, %get3A_354] {strides = array<i32>} : memref<104x16xf32, #tpu.memory_space<vmem>>, vector<1x16xf32>,
        %get3A_356 = vector.shape_cast %get3A_355 : vector<1x16xf32> to vector<16xf32>
        %max3A = arith.maximumf %get3A_45, %get3A_326 : vector<16xf32>
        %max3A_357 = arith.maximumf %get3A_50, %get3A_332 : vector<16xf32>
        %min3A = arith.minimumf %get3A_55, %get3A_338 : vector<16xf32>
        %min3A_358 = arith.minimumf %get3A_60, %get3A_344 : vector<16xf32>
        %sub3A_359 = arith.subf %min3A, %max3A : vector<16xf32>
        %max3A_360 = arith.maximumf %sub3A_359, %broadcast_in_dim3A_5 : vector<16xf32>
        %sub3A_361 = arith.subf %min3A_358, %max3A_357 : vector<16xf32>
        %max3A_362 = arith.maximumf %sub3A_361, %broadcast_in_dim3A_5 : vector<16xf32>
        %mul3A_363 = arith.mulf %max3A_360, %max3A_362 : vector<16xf32>
        %add3A_364 = arith.addf %mul3A_62, %get3A_348 : vector<16xf32>
        %sub3A_365 = arith.subf %add3A_364, %mul3A_363 : vector<16xf32>
        %max3A_366 = arith.maximumf %sub3A_365, %broadcast_in_dim3A_9 : vector<16xf32>
        %div3A = arith.divf %mul3A_363, %max3A_366 : vector<16xf32>
        %min3A_367 = arith.minimumf %div3A, %get3A_352 : vector<16xf32>
        %max3A_368 = arith.maximumf %scan3A_313, %min3A_367 : vector<16xf32>
        %min3A_369 = arith.minimumf %div3A, %get3A_356 : vector<16xf32>
        %max3A_370 = arith.maximumf %scan3A_314, %min3A_369 : vector<16xf32>
        %max3A_371 = arith.maximumf %get3A_69, %get3A_326 : vector<16xf32>
        %max3A_372 = arith.maximumf %get3A_74, %get3A_332 : vector<16xf32>
        %min3A_373 = arith.minimumf %get3A_79, %get3A_338 : vector<16xf32>
        %min3A_374 = arith.minimumf %get3A_84, %get3A_344 : vector<16xf32>
        %sub3A_375 = arith.subf %min3A_373, %max3A_371 : vector<16xf32>
        %max3A_376 = arith.maximumf %sub3A_375, %broadcast_in_dim3A_5 : vector<16xf32>
        %sub3A_377 = arith.subf %min3A_374, %max3A_372 : vector<16xf32>
        %max3A_378 = arith.maximumf %sub3A_377, %broadcast_in_dim3A_5 : vector<16xf32>
        %mul3A_379 = arith.mulf %max3A_376, %max3A_378 : vector<16xf32>
        %add3A_380 = arith.addf %mul3A_87, %get3A_348 : vector<16xf32>
        %sub3A_381 = arith.subf %add3A_380, %mul3A_379 : vector<16xf32>
        %max3A_382 = arith.maximumf %sub3A_381, %broadcast_in_dim3A_9 : vector<16xf32>
        %div3A_383 = arith.divf %mul3A_379, %max3A_382 : vector<16xf32>
        %min3A_384 = arith.minimumf %div3A_383, %get3A_352 : vector<16xf32>
        %max3A_385 = arith.maximumf %scan3A_315, %min3A_384 : vector<16xf32>
        %min3A_386 = arith.minimumf %div3A_383, %get3A_356 : vector<16xf32>
        %max3A_387 = arith.maximumf %scan3A_316, %min3A_386 : vector<16xf32>
        %max3A_388 = arith.maximumf %get3A_94, %get3A_326 : vector<16xf32>
        %max3A_389 = arith.maximumf %get3A_99, %get3A_332 : vector<16xf32>
        %min3A_390 = arith.minimumf %get3A_104, %get3A_338 : vector<16xf32>
        %min3A_391 = arith.minimumf %get3A_109, %get3A_344 : vector<16xf32>
        %sub3A_392 = arith.subf %min3A_390, %max3A_388 : vector<16xf32>
        %max3A_393 = arith.maximumf %sub3A_392, %broadcast_in_dim3A_5 : vector<16xf32>
        %sub3A_394 = arith.subf %min3A_391, %max3A_389 : vector<16xf32>
        %max3A_395 = arith.maximumf %sub3A_394, %broadcast_in_dim3A_5 : vector<16xf32>
        %mul3A_396 = arith.mulf %max3A_393, %max3A_395 : vector<16xf32>
        %add3A_397 = arith.addf %mul3A_112, %get3A_348 : vector<16xf32>
        %sub3A_398 = arith.subf %add3A_397, %mul3A_396 : vector<16xf32>
        %max3A_399 = arith.maximumf %sub3A_398, %broadcast_in_dim3A_9 : vector<16xf32>
        %div3A_400 = arith.divf %mul3A_396, %max3A_399 : vector<16xf32>
        %min3A_401 = arith.minimumf %div3A_400, %get3A_352 : vector<16xf32>
        %max3A_402 = arith.maximumf %scan3A_317, %min3A_401 : vector<16xf32>
        %min3A_403 = arith.minimumf %div3A_400, %get3A_356 : vector<16xf32>
        %max3A_404 = arith.maximumf %scan3A_318, %min3A_403 : vector<16xf32>
        %max3A_405 = arith.maximumf %get3A_119, %get3A_326 : vector<16xf32>
        %max3A_406 = arith.maximumf %get3A_124, %get3A_332 : vector<16xf32>
        %min3A_407 = arith.minimumf %get3A_129, %get3A_338 : vector<16xf32>
        %min3A_408 = arith.minimumf %get3A_134, %get3A_344 : vector<16xf32>
        %sub3A_409 = arith.subf %min3A_407, %max3A_405 : vector<16xf32>
        %max3A_410 = arith.maximumf %sub3A_409, %broadcast_in_dim3A_5 : vector<16xf32>
        %sub3A_411 = arith.subf %min3A_408, %max3A_406 : vector<16xf32>
        %max3A_412 = arith.maximumf %sub3A_411, %broadcast_in_dim3A_5 : vector<16xf32>
        %mul3A_413 = arith.mulf %max3A_410, %max3A_412 : vector<16xf32>
        %add3A_414 = arith.addf %mul3A_137, %get3A_348 : vector<16xf32>
        %sub3A_415 = arith.subf %add3A_414, %mul3A_413 : vector<16xf32>
        %max3A_416 = arith.maximumf %sub3A_415, %broadcast_in_dim3A_9 : vector<16xf32>
        %div3A_417 = arith.divf %mul3A_413, %max3A_416 : vector<16xf32>
        %min3A_418 = arith.minimumf %div3A_417, %get3A_352 : vector<16xf32>
        %max3A_419 = arith.maximumf %scan3A_319, %min3A_418 : vector<16xf32>
        %min3A_420 = arith.minimumf %div3A_417, %get3A_356 : vector<16xf32>
        %max3A_421 = arith.maximumf %scan3A_320, %min3A_420 : vector<16xf32>
        %scan3A_422 = arith.constant 1 : i32
        %scan3A_423 = arith.addi %scan3A_312, %scan3A_422 : i32
        %get3A_424 = arith.constant 0 : i32
        %get3A_425 = arith.index_cast %get3A_424 : i32 to index
        %get3A_426 = arith.index_cast %scan3A_423 : i32 to index
        %get3A_427 = arith.constant 0 : index
        %get3A_428 = tpu.vector_load %arg8[%get3A_425, %get3A_426, %get3A_427] {strides = array<i32>} : memref<4x104x16xf32, #tpu.memory_space<vmem>>, vector<1x1x16xf32>,
        %get3A_429 = vector.shape_cast %get3A_428 : vector<1x1x16xf32> to vector<16xf32>
        %get3A_430 = arith.constant 1 : i32
        %get3A_431 = arith.index_cast %get3A_430 : i32 to index
        %get3A_432 = arith.index_cast %scan3A_423 : i32 to index
        %get3A_433 = arith.constant 0 : index
        %get3A_434 = tpu.vector_load %arg8[%get3A_431, %get3A_432, %get3A_433] {strides = array<i32>} : memref<4x104x16xf32, #tpu.memory_space<vmem>>, vector<1x1x16xf32>,
        %get3A_435 = vector.shape_cast %get3A_434 : vector<1x1x16xf32> to vector<16xf32>
        %get3A_436 = arith.constant 2 : i32
        %get3A_437 = arith.index_cast %get3A_436 : i32 to index
        %get3A_438 = arith.index_cast %scan3A_423 : i32 to index
        %get3A_439 = arith.constant 0 : index
        %get3A_440 = tpu.vector_load %arg8[%get3A_437, %get3A_438, %get3A_439] {strides = array<i32>} : memref<4x104x16xf32, #tpu.memory_space<vmem>>, vector<1x1x16xf32>,
        %get3A_441 = vector.shape_cast %get3A_440 : vector<1x1x16xf32> to vector<16xf32>
        %get3A_442 = arith.constant 3 : i32
        %get3A_443 = arith.index_cast %get3A_442 : i32 to index
        %get3A_444 = arith.index_cast %scan3A_423 : i32 to index
        %get3A_445 = arith.constant 0 : index
        %get3A_446 = tpu.vector_load %arg8[%get3A_443, %get3A_444, %get3A_445] {strides = array<i32>} : memref<4x104x16xf32, #tpu.memory_space<vmem>>, vector<1x1x16xf32>,
        %get3A_447 = vector.shape_cast %get3A_446 : vector<1x1x16xf32> to vector<16xf32>
        %get3A_448 = arith.index_cast %scan3A_423 : i32 to index
        %get3A_449 = arith.constant 0 : index
        %get3A_450 = tpu.vector_load %arg10[%get3A_448, %get3A_449] {strides = array<i32>} : memref<104x16xf32, #tpu.memory_space<vmem>>, vector<1x16xf32>,
        %get3A_451 = vector.shape_cast %get3A_450 : vector<1x16xf32> to vector<16xf32>
        %get3A_452 = arith.index_cast %scan3A_423 : i32 to index
        %get3A_453 = arith.constant 0 : index
        %get3A_454 = tpu.vector_load %arg11[%get3A_452, %get3A_453] {strides = array<i32>} : memref<104x16xf32, #tpu.memory_space<vmem>>, vector<1x16xf32>,
        %get3A_455 = vector.shape_cast %get3A_454 : vector<1x16xf32> to vector<16xf32>
        %get3A_456 = arith.index_cast %scan3A_423 : i32 to index
        %get3A_457 = arith.constant 0 : index
        %get3A_458 = tpu.vector_load %arg12[%get3A_456, %get3A_457] {strides = array<i32>} : memref<104x16xf32, #tpu.memory_space<vmem>>, vector<1x16xf32>,
        %get3A_459 = vector.shape_cast %get3A_458 : vector<1x16xf32> to vector<16xf32>
        %max3A_460 = arith.maximumf %get3A_45, %get3A_429 : vector<16xf32>
        %max3A_461 = arith.maximumf %get3A_50, %get3A_435 : vector<16xf32>
        %min3A_462 = arith.minimumf %get3A_55, %get3A_441 : vector<16xf32>
        %min3A_463 = arith.minimumf %get3A_60, %get3A_447 : vector<16xf32>
        %sub3A_464 = arith.subf %min3A_462, %max3A_460 : vector<16xf32>
        %max3A_465 = arith.maximumf %sub3A_464, %broadcast_in_dim3A_5 : vector<16xf32>
        %sub3A_466 = arith.subf %min3A_463, %max3A_461 : vector<16xf32>
        %max3A_467 = arith.maximumf %sub3A_466, %broadcast_in_dim3A_5 : vector<16xf32>
        %mul3A_468 = arith.mulf %max3A_465, %max3A_467 : vector<16xf32>
        %add3A_469 = arith.addf %mul3A_62, %get3A_451 : vector<16xf32>
        %sub3A_470 = arith.subf %add3A_469, %mul3A_468 : vector<16xf32>
        %max3A_471 = arith.maximumf %sub3A_470, %broadcast_in_dim3A_9 : vector<16xf32>
        %div3A_472 = arith.divf %mul3A_468, %max3A_471 : vector<16xf32>
        %min3A_473 = arith.minimumf %div3A_472, %get3A_455 : vector<16xf32>
        %max3A_474 = arith.maximumf %max3A_368, %min3A_473 : vector<16xf32>
        %min3A_475 = arith.minimumf %div3A_472, %get3A_459 : vector<16xf32>
        %max3A_476 = arith.maximumf %max3A_370, %min3A_475 : vector<16xf32>
        %max3A_477 = arith.maximumf %get3A_69, %get3A_429 : vector<16xf32>
        %max3A_478 = arith.maximumf %get3A_74, %get3A_435 : vector<16xf32>
        %min3A_479 = arith.minimumf %get3A_79, %get3A_441 : vector<16xf32>
        %min3A_480 = arith.minimumf %get3A_84, %get3A_447 : vector<16xf32>
        %sub3A_481 = arith.subf %min3A_479, %max3A_477 : vector<16xf32>
        %max3A_482 = arith.maximumf %sub3A_481, %broadcast_in_dim3A_5 : vector<16xf32>
        %sub3A_483 = arith.subf %min3A_480, %max3A_478 : vector<16xf32>
        %max3A_484 = arith.maximumf %sub3A_483, %broadcast_in_dim3A_5 : vector<16xf32>
        %mul3A_485 = arith.mulf %max3A_482, %max3A_484 : vector<16xf32>
        %add3A_486 = arith.addf %mul3A_87, %get3A_451 : vector<16xf32>
        %sub3A_487 = arith.subf %add3A_486, %mul3A_485 : vector<16xf32>
        %max3A_488 = arith.maximumf %sub3A_487, %broadcast_in_dim3A_9 : vector<16xf32>
        %div3A_489 = arith.divf %mul3A_485, %max3A_488 : vector<16xf32>
        %min3A_490 = arith.minimumf %div3A_489, %get3A_455 : vector<16xf32>
        %max3A_491 = arith.maximumf %max3A_385, %min3A_490 : vector<16xf32>
        %min3A_492 = arith.minimumf %div3A_489, %get3A_459 : vector<16xf32>
        %max3A_493 = arith.maximumf %max3A_387, %min3A_492 : vector<16xf32>
        %max3A_494 = arith.maximumf %get3A_94, %get3A_429 : vector<16xf32>
        %max3A_495 = arith.maximumf %get3A_99, %get3A_435 : vector<16xf32>
        %min3A_496 = arith.minimumf %get3A_104, %get3A_441 : vector<16xf32>
        %min3A_497 = arith.minimumf %get3A_109, %get3A_447 : vector<16xf32>
        %sub3A_498 = arith.subf %min3A_496, %max3A_494 : vector<16xf32>
        %max3A_499 = arith.maximumf %sub3A_498, %broadcast_in_dim3A_5 : vector<16xf32>
        %sub3A_500 = arith.subf %min3A_497, %max3A_495 : vector<16xf32>
        %max3A_501 = arith.maximumf %sub3A_500, %broadcast_in_dim3A_5 : vector<16xf32>
        %mul3A_502 = arith.mulf %max3A_499, %max3A_501 : vector<16xf32>
        %add3A_503 = arith.addf %mul3A_112, %get3A_451 : vector<16xf32>
        %sub3A_504 = arith.subf %add3A_503, %mul3A_502 : vector<16xf32>
        %max3A_505 = arith.maximumf %sub3A_504, %broadcast_in_dim3A_9 : vector<16xf32>
        %div3A_506 = arith.divf %mul3A_502, %max3A_505 : vector<16xf32>
        %min3A_507 = arith.minimumf %div3A_506, %get3A_455 : vector<16xf32>
        %max3A_508 = arith.maximumf %max3A_402, %min3A_507 : vector<16xf32>
        %min3A_509 = arith.minimumf %div3A_506, %get3A_459 : vector<16xf32>
        %max3A_510 = arith.maximumf %max3A_404, %min3A_509 : vector<16xf32>
        %max3A_511 = arith.maximumf %get3A_119, %get3A_429 : vector<16xf32>
        %max3A_512 = arith.maximumf %get3A_124, %get3A_435 : vector<16xf32>
        %min3A_513 = arith.minimumf %get3A_129, %get3A_441 : vector<16xf32>
        %min3A_514 = arith.minimumf %get3A_134, %get3A_447 : vector<16xf32>
        %sub3A_515 = arith.subf %min3A_513, %max3A_511 : vector<16xf32>
        %max3A_516 = arith.maximumf %sub3A_515, %broadcast_in_dim3A_5 : vector<16xf32>
        %sub3A_517 = arith.subf %min3A_514, %max3A_512 : vector<16xf32>
        %max3A_518 = arith.maximumf %sub3A_517, %broadcast_in_dim3A_5 : vector<16xf32>
        %mul3A_519 = arith.mulf %max3A_516, %max3A_518 : vector<16xf32>
        %add3A_520 = arith.addf %mul3A_137, %get3A_451 : vector<16xf32>
        %sub3A_521 = arith.subf %add3A_520, %mul3A_519 : vector<16xf32>
        %max3A_522 = arith.maximumf %sub3A_521, %broadcast_in_dim3A_9 : vector<16xf32>
        %div3A_523 = arith.divf %mul3A_519, %max3A_522 : vector<16xf32>
        %min3A_524 = arith.minimumf %div3A_523, %get3A_455 : vector<16xf32>
        %max3A_525 = arith.maximumf %max3A_419, %min3A_524 : vector<16xf32>
        %min3A_526 = arith.minimumf %div3A_523, %get3A_459 : vector<16xf32>
        %max3A_527 = arith.maximumf %max3A_421, %min3A_526 : vector<16xf32>
        scf.yield %max3A_474, %max3A_476, %max3A_491, %max3A_493, %max3A_508, %max3A_510, %max3A_525, %max3A_527 : vector<16xf32>, vector<16xf32>, vector<16xf32>, vector<16xf32>, vector<16xf32>, vector<16xf32>, vector<16xf32>, vector<16xf32>
      }
      %scan3A_145 = arith.constant 104 : i32
      %add3A_146 = arith.constant 0 : i32
      %add3A_147 = arith.addi %mul3A_39, %add3A_146 : i32
      %ne3A = arith.cmpf one, %get3A_45, %broadcast_in_dim3A_5 : vector<16xf32>
      %ne3A_148 = arith.cmpf one, %get3A_50, %broadcast_in_dim3A_5 : vector<16xf32>
      %or3A = arith.ori %ne3A, %ne3A_148 : vector<16xi1>
      %ne3A_149 = arith.cmpf one, %get3A_55, %broadcast_in_dim3A_5 : vector<16xf32>
      %or3A_150 = arith.ori %or3A, %ne3A_149 : vector<16xi1>
      %ne3A_151 = arith.cmpf one, %get3A_60, %broadcast_in_dim3A_5 : vector<16xf32>
      %or3A_152 = arith.ori %or3A_150, %ne3A_151 : vector<16xi1>
      %select_n3A = arith.select %or3A_152, %scan3A_144#0, %broadcast_in_dim3A_3 : vector<16xi1>, vector<16xf32>
      %select_n3A_153 = arith.select %or3A_152, %scan3A_144#1, %broadcast_in_dim3A_3 : vector<16xi1>, vector<16xf32>
      %ge3A = arith.cmpf oge, %select_n3A, %broadcast_in_dim3A_11 : vector<16xf32>
      %and3A = arith.andi %ge3A, %or3A_152 : vector<16xi1>
      %select_n3A_154 = arith.select %and3A, %broadcast_in_dim3A_15, %broadcast_in_dim3A_5 : vector<16xi1>, vector<16xf32>
      %lt3A = arith.cmpf olt, %select_n3A, %broadcast_in_dim3A_11 : vector<16xf32>
      %lt3A_155 = arith.cmpf olt, %select_n3A_153, %broadcast_in_dim3A_13 : vector<16xf32>
      %and3A_156 = arith.andi %lt3A, %lt3A_155 : vector<16xi1>
      %and3A_157 = arith.andi %and3A_156, %or3A_152 : vector<16xi1>
      %select_n3A_158 = arith.select %and3A_157, %broadcast_in_dim3A_15, %broadcast_in_dim3A_5 : vector<16xi1>, vector<16xf32>
      %swap3A = arith.constant 0 : i32
      %swap3A_159 = arith.index_cast %swap3A : i32 to index
      %swap3A_160 = arith.index_cast %add3A_147 : i32 to index
      %swap3A_161 = tpu.vector_load %arg7[%swap3A_159, %swap3A_160] {strides = array<i32>} : memref<4x640xf32, #tpu.memory_space<vmem>>, vector<1x16xf32>,
      %swap3A_162 = vector.shape_cast %swap3A_161 : vector<1x16xf32> to vector<16xf32>
      %swap3A_163 = vector.shape_cast %select_n3A : vector<16xf32> to vector<1x16xf32>
      tpu.vector_store %arg7[%swap3A_159, %swap3A_160], %swap3A_163 {strides = array<i32>} : memref<4x640xf32, #tpu.memory_space<vmem>>, vector<1x16xf32>,
      %swap3A_164 = arith.constant 1 : i32
      %swap3A_165 = arith.index_cast %swap3A_164 : i32 to index
      %swap3A_166 = arith.index_cast %add3A_147 : i32 to index
      %swap3A_167 = tpu.vector_load %arg7[%swap3A_165, %swap3A_166] {strides = array<i32>} : memref<4x640xf32, #tpu.memory_space<vmem>>, vector<1x16xf32>,
      %swap3A_168 = vector.shape_cast %swap3A_167 : vector<1x16xf32> to vector<16xf32>
      %swap3A_169 = vector.shape_cast %select_n3A_153 : vector<16xf32> to vector<1x16xf32>
      tpu.vector_store %arg7[%swap3A_165, %swap3A_166], %swap3A_169 {strides = array<i32>} : memref<4x640xf32, #tpu.memory_space<vmem>>, vector<1x16xf32>,
      %swap3A_170 = arith.constant 2 : i32
      %swap3A_171 = arith.index_cast %swap3A_170 : i32 to index
      %swap3A_172 = arith.index_cast %add3A_147 : i32 to index
      %swap3A_173 = tpu.vector_load %arg7[%swap3A_171, %swap3A_172] {strides = array<i32>} : memref<4x640xf32, #tpu.memory_space<vmem>>, vector<1x16xf32>,
      %swap3A_174 = vector.shape_cast %swap3A_173 : vector<1x16xf32> to vector<16xf32>
      %swap3A_175 = vector.shape_cast %select_n3A_154 : vector<16xf32> to vector<1x16xf32>
      tpu.vector_store %arg7[%swap3A_171, %swap3A_172], %swap3A_175 {strides = array<i32>} : memref<4x640xf32, #tpu.memory_space<vmem>>, vector<1x16xf32>,
      %swap3A_176 = arith.constant 3 : i32
      %swap3A_177 = arith.index_cast %swap3A_176 : i32 to index
      %swap3A_178 = arith.index_cast %add3A_147 : i32 to index
      %swap3A_179 = tpu.vector_load %arg7[%swap3A_177, %swap3A_178] {strides = array<i32>} : memref<4x640xf32, #tpu.memory_space<vmem>>, vector<1x16xf32>,
      %swap3A_180 = vector.shape_cast %swap3A_179 : vector<1x16xf32> to vector<16xf32>
      %swap3A_181 = vector.shape_cast %select_n3A_158 : vector<16xf32> to vector<1x16xf32>
      tpu.vector_store %arg7[%swap3A_177, %swap3A_178], %swap3A_181 {strides = array<i32>} : memref<4x640xf32, #tpu.memory_space<vmem>>, vector<1x16xf32>,
      %add3A_182 = arith.constant 16 : i32
      %add3A_183 = arith.addi %mul3A_39, %add3A_182 : i32
      %ne3A_184 = arith.cmpf one, %get3A_69, %broadcast_in_dim3A_5 : vector<16xf32>
      %ne3A_185 = arith.cmpf one, %get3A_74, %broadcast_in_dim3A_5 : vector<16xf32>
      %or3A_186 = arith.ori %ne3A_184, %ne3A_185 : vector<16xi1>
      %ne3A_187 = arith.cmpf one, %get3A_79, %broadcast_in_dim3A_5 : vector<16xf32>
      %or3A_188 = arith.ori %or3A_186, %ne3A_187 : vector<16xi1>
      %ne3A_189 = arith.cmpf one, %get3A_84, %broadcast_in_dim3A_5 : vector<16xf32>
      %or3A_190 = arith.ori %or3A_188, %ne3A_189 : vector<16xi1>
      %select_n3A_191 = arith.select %or3A_190, %scan3A_144#2, %broadcast_in_dim3A_3 : vector<16xi1>, vector<16xf32>
      %select_n3A_192 = arith.select %or3A_190, %scan3A_144#3, %broadcast_in_dim3A_3 : vector<16xi1>, vector<16xf32>
      %ge3A_193 = arith.cmpf oge, %select_n3A_191, %broadcast_in_dim3A_11 : vector<16xf32>
      %and3A_194 = arith.andi %ge3A_193, %or3A_190 : vector<16xi1>
      %select_n3A_195 = arith.select %and3A_194, %broadcast_in_dim3A_15, %broadcast_in_dim3A_5 : vector<16xi1>, vector<16xf32>
      %lt3A_196 = arith.cmpf olt, %select_n3A_191, %broadcast_in_dim3A_11 : vector<16xf32>
      %lt3A_197 = arith.cmpf olt, %select_n3A_192, %broadcast_in_dim3A_13 : vector<16xf32>
      %and3A_198 = arith.andi %lt3A_196, %lt3A_197 : vector<16xi1>
      %and3A_199 = arith.andi %and3A_198, %or3A_190 : vector<16xi1>
      %select_n3A_200 = arith.select %and3A_199, %broadcast_in_dim3A_15, %broadcast_in_dim3A_5 : vector<16xi1>, vector<16xf32>
      %swap3A_201 = arith.constant 0 : i32
      %swap3A_202 = arith.index_cast %swap3A_201 : i32 to index
      %swap3A_203 = arith.index_cast %add3A_183 : i32 to index
      %swap3A_204 = tpu.vector_load %arg7[%swap3A_202, %swap3A_203] {strides = array<i32>} : memref<4x640xf32, #tpu.memory_space<vmem>>, vector<1x16xf32>,
      %swap3A_205 = vector.shape_cast %swap3A_204 : vector<1x16xf32> to vector<16xf32>
      %swap3A_206 = vector.shape_cast %select_n3A_191 : vector<16xf32> to vector<1x16xf32>
      tpu.vector_store %arg7[%swap3A_202, %swap3A_203], %swap3A_206 {strides = array<i32>} : memref<4x640xf32, #tpu.memory_space<vmem>>, vector<1x16xf32>,
      %swap3A_207 = arith.constant 1 : i32
      %swap3A_208 = arith.index_cast %swap3A_207 : i32 to index
      %swap3A_209 = arith.index_cast %add3A_183 : i32 to index
      %swap3A_210 = tpu.vector_load %arg7[%swap3A_208, %swap3A_209] {strides = array<i32>} : memref<4x640xf32, #tpu.memory_space<vmem>>, vector<1x16xf32>,
      %swap3A_211 = vector.shape_cast %swap3A_210 : vector<1x16xf32> to vector<16xf32>
      %swap3A_212 = vector.shape_cast %select_n3A_192 : vector<16xf32> to vector<1x16xf32>
      tpu.vector_store %arg7[%swap3A_208, %swap3A_209], %swap3A_212 {strides = array<i32>} : memref<4x640xf32, #tpu.memory_space<vmem>>, vector<1x16xf32>,
      %swap3A_213 = arith.constant 2 : i32
      %swap3A_214 = arith.index_cast %swap3A_213 : i32 to index
      %swap3A_215 = arith.index_cast %add3A_183 : i32 to index
      %swap3A_216 = tpu.vector_load %arg7[%swap3A_214, %swap3A_215] {strides = array<i32>} : memref<4x640xf32, #tpu.memory_space<vmem>>, vector<1x16xf32>,
      %swap3A_217 = vector.shape_cast %swap3A_216 : vector<1x16xf32> to vector<16xf32>
      %swap3A_218 = vector.shape_cast %select_n3A_195 : vector<16xf32> to vector<1x16xf32>
      tpu.vector_store %arg7[%swap3A_214, %swap3A_215], %swap3A_218 {strides = array<i32>} : memref<4x640xf32, #tpu.memory_space<vmem>>, vector<1x16xf32>,
      %swap3A_219 = arith.constant 3 : i32
      %swap3A_220 = arith.index_cast %swap3A_219 : i32 to index
      %swap3A_221 = arith.index_cast %add3A_183 : i32 to index
      %swap3A_222 = tpu.vector_load %arg7[%swap3A_220, %swap3A_221] {strides = array<i32>} : memref<4x640xf32, #tpu.memory_space<vmem>>, vector<1x16xf32>,
      %swap3A_223 = vector.shape_cast %swap3A_222 : vector<1x16xf32> to vector<16xf32>
      %swap3A_224 = vector.shape_cast %select_n3A_200 : vector<16xf32> to vector<1x16xf32>
      tpu.vector_store %arg7[%swap3A_220, %swap3A_221], %swap3A_224 {strides = array<i32>} : memref<4x640xf32, #tpu.memory_space<vmem>>, vector<1x16xf32>,
      %add3A_225 = arith.constant 32 : i32
      %add3A_226 = arith.addi %mul3A_39, %add3A_225 : i32
      %ne3A_227 = arith.cmpf one, %get3A_94, %broadcast_in_dim3A_5 : vector<16xf32>
      %ne3A_228 = arith.cmpf one, %get3A_99, %broadcast_in_dim3A_5 : vector<16xf32>
      %or3A_229 = arith.ori %ne3A_227, %ne3A_228 : vector<16xi1>
      %ne3A_230 = arith.cmpf one, %get3A_104, %broadcast_in_dim3A_5 : vector<16xf32>
      %or3A_231 = arith.ori %or3A_229, %ne3A_230 : vector<16xi1>
      %ne3A_232 = arith.cmpf one, %get3A_109, %broadcast_in_dim3A_5 : vector<16xf32>
      %or3A_233 = arith.ori %or3A_231, %ne3A_232 : vector<16xi1>
      %select_n3A_234 = arith.select %or3A_233, %scan3A_144#4, %broadcast_in_dim3A_3 : vector<16xi1>, vector<16xf32>
      %select_n3A_235 = arith.select %or3A_233, %scan3A_144#5, %broadcast_in_dim3A_3 : vector<16xi1>, vector<16xf32>
      %ge3A_236 = arith.cmpf oge, %select_n3A_234, %broadcast_in_dim3A_11 : vector<16xf32>
      %and3A_237 = arith.andi %ge3A_236, %or3A_233 : vector<16xi1>
      %select_n3A_238 = arith.select %and3A_237, %broadcast_in_dim3A_15, %broadcast_in_dim3A_5 : vector<16xi1>, vector<16xf32>
      %lt3A_239 = arith.cmpf olt, %select_n3A_234, %broadcast_in_dim3A_11 : vector<16xf32>
      %lt3A_240 = arith.cmpf olt, %select_n3A_235, %broadcast_in_dim3A_13 : vector<16xf32>
      %and3A_241 = arith.andi %lt3A_239, %lt3A_240 : vector<16xi1>
      %and3A_242 = arith.andi %and3A_241, %or3A_233 : vector<16xi1>
      %select_n3A_243 = arith.select %and3A_242, %broadcast_in_dim3A_15, %broadcast_in_dim3A_5 : vector<16xi1>, vector<16xf32>
      %swap3A_244 = arith.constant 0 : i32
      %swap3A_245 = arith.index_cast %swap3A_244 : i32 to index
      %swap3A_246 = arith.index_cast %add3A_226 : i32 to index
      %swap3A_247 = tpu.vector_load %arg7[%swap3A_245, %swap3A_246] {strides = array<i32>} : memref<4x640xf32, #tpu.memory_space<vmem>>, vector<1x16xf32>,
      %swap3A_248 = vector.shape_cast %swap3A_247 : vector<1x16xf32> to vector<16xf32>
      %swap3A_249 = vector.shape_cast %select_n3A_234 : vector<16xf32> to vector<1x16xf32>
      tpu.vector_store %arg7[%swap3A_245, %swap3A_246], %swap3A_249 {strides = array<i32>} : memref<4x640xf32, #tpu.memory_space<vmem>>, vector<1x16xf32>,
      %swap3A_250 = arith.constant 1 : i32
      %swap3A_251 = arith.index_cast %swap3A_250 : i32 to index
      %swap3A_252 = arith.index_cast %add3A_226 : i32 to index
      %swap3A_253 = tpu.vector_load %arg7[%swap3A_251, %swap3A_252] {strides = array<i32>} : memref<4x640xf32, #tpu.memory_space<vmem>>, vector<1x16xf32>,
      %swap3A_254 = vector.shape_cast %swap3A_253 : vector<1x16xf32> to vector<16xf32>
      %swap3A_255 = vector.shape_cast %select_n3A_235 : vector<16xf32> to vector<1x16xf32>
      tpu.vector_store %arg7[%swap3A_251, %swap3A_252], %swap3A_255 {strides = array<i32>} : memref<4x640xf32, #tpu.memory_space<vmem>>, vector<1x16xf32>,
      %swap3A_256 = arith.constant 2 : i32
      %swap3A_257 = arith.index_cast %swap3A_256 : i32 to index
      %swap3A_258 = arith.index_cast %add3A_226 : i32 to index
      %swap3A_259 = tpu.vector_load %arg7[%swap3A_257, %swap3A_258] {strides = array<i32>} : memref<4x640xf32, #tpu.memory_space<vmem>>, vector<1x16xf32>,
      %swap3A_260 = vector.shape_cast %swap3A_259 : vector<1x16xf32> to vector<16xf32>
      %swap3A_261 = vector.shape_cast %select_n3A_238 : vector<16xf32> to vector<1x16xf32>
      tpu.vector_store %arg7[%swap3A_257, %swap3A_258], %swap3A_261 {strides = array<i32>} : memref<4x640xf32, #tpu.memory_space<vmem>>, vector<1x16xf32>,
      %swap3A_262 = arith.constant 3 : i32
      %swap3A_263 = arith.index_cast %swap3A_262 : i32 to index
      %swap3A_264 = arith.index_cast %add3A_226 : i32 to index
      %swap3A_265 = tpu.vector_load %arg7[%swap3A_263, %swap3A_264] {strides = array<i32>} : memref<4x640xf32, #tpu.memory_space<vmem>>, vector<1x16xf32>,
      %swap3A_266 = vector.shape_cast %swap3A_265 : vector<1x16xf32> to vector<16xf32>
      %swap3A_267 = vector.shape_cast %select_n3A_243 : vector<16xf32> to vector<1x16xf32>
      tpu.vector_store %arg7[%swap3A_263, %swap3A_264], %swap3A_267 {strides = array<i32>} : memref<4x640xf32, #tpu.memory_space<vmem>>, vector<1x16xf32>,
      %add3A_268 = arith.constant 48 : i32
      %add3A_269 = arith.addi %mul3A_39, %add3A_268 : i32
      %ne3A_270 = arith.cmpf one, %get3A_119, %broadcast_in_dim3A_5 : vector<16xf32>
      %ne3A_271 = arith.cmpf one, %get3A_124, %broadcast_in_dim3A_5 : vector<16xf32>
      %or3A_272 = arith.ori %ne3A_270, %ne3A_271 : vector<16xi1>
      %ne3A_273 = arith.cmpf one, %get3A_129, %broadcast_in_dim3A_5 : vector<16xf32>
      %or3A_274 = arith.ori %or3A_272, %ne3A_273 : vector<16xi1>
      %ne3A_275 = arith.cmpf one, %get3A_134, %broadcast_in_dim3A_5 : vector<16xf32>
      %or3A_276 = arith.ori %or3A_274, %ne3A_275 : vector<16xi1>
      %select_n3A_277 = arith.select %or3A_276, %scan3A_144#6, %broadcast_in_dim3A_3 : vector<16xi1>, vector<16xf32>
      %select_n3A_278 = arith.select %or3A_276, %scan3A_144#7, %broadcast_in_dim3A_3 : vector<16xi1>, vector<16xf32>
      %ge3A_279 = arith.cmpf oge, %select_n3A_277, %broadcast_in_dim3A_11 : vector<16xf32>
      %and3A_280 = arith.andi %ge3A_279, %or3A_276 : vector<16xi1>
      %select_n3A_281 = arith.select %and3A_280, %broadcast_in_dim3A_15, %broadcast_in_dim3A_5 : vector<16xi1>, vector<16xf32>
      %lt3A_282 = arith.cmpf olt, %select_n3A_277, %broadcast_in_dim3A_11 : vector<16xf32>
      %lt3A_283 = arith.cmpf olt, %select_n3A_278, %broadcast_in_dim3A_13 : vector<16xf32>
      %and3A_284 = arith.andi %lt3A_282, %lt3A_283 : vector<16xi1>
      %and3A_285 = arith.andi %and3A_284, %or3A_276 : vector<16xi1>
      %select_n3A_286 = arith.select %and3A_285, %broadcast_in_dim3A_15, %broadcast_in_dim3A_5 : vector<16xi1>, vector<16xf32>
      %swap3A_287 = arith.constant 0 : i32
      %swap3A_288 = arith.index_cast %swap3A_287 : i32 to index
      %swap3A_289 = arith.index_cast %add3A_269 : i32 to index
      %swap3A_290 = tpu.vector_load %arg7[%swap3A_288, %swap3A_289] {strides = array<i32>} : memref<4x640xf32, #tpu.memory_space<vmem>>, vector<1x16xf32>,
      %swap3A_291 = vector.shape_cast %swap3A_290 : vector<1x16xf32> to vector<16xf32>
      %swap3A_292 = vector.shape_cast %select_n3A_277 : vector<16xf32> to vector<1x16xf32>
      tpu.vector_store %arg7[%swap3A_288, %swap3A_289], %swap3A_292 {strides = array<i32>} : memref<4x640xf32, #tpu.memory_space<vmem>>, vector<1x16xf32>,
      %swap3A_293 = arith.constant 1 : i32
      %swap3A_294 = arith.index_cast %swap3A_293 : i32 to index
      %swap3A_295 = arith.index_cast %add3A_269 : i32 to index
      %swap3A_296 = tpu.vector_load %arg7[%swap3A_294, %swap3A_295] {strides = array<i32>} : memref<4x640xf32, #tpu.memory_space<vmem>>, vector<1x16xf32>,
      %swap3A_297 = vector.shape_cast %swap3A_296 : vector<1x16xf32> to vector<16xf32>
      %swap3A_298 = vector.shape_cast %select_n3A_278 : vector<16xf32> to vector<1x16xf32>
      tpu.vector_store %arg7[%swap3A_294, %swap3A_295], %swap3A_298 {strides = array<i32>} : memref<4x640xf32, #tpu.memory_space<vmem>>, vector<1x16xf32>,
      %swap3A_299 = arith.constant 2 : i32
      %swap3A_300 = arith.index_cast %swap3A_299 : i32 to index
      %swap3A_301 = arith.index_cast %add3A_269 : i32 to index
      %swap3A_302 = tpu.vector_load %arg7[%swap3A_300, %swap3A_301] {strides = array<i32>} : memref<4x640xf32, #tpu.memory_space<vmem>>, vector<1x16xf32>,
      %swap3A_303 = vector.shape_cast %swap3A_302 : vector<1x16xf32> to vector<16xf32>
      %swap3A_304 = vector.shape_cast %select_n3A_281 : vector<16xf32> to vector<1x16xf32>
      tpu.vector_store %arg7[%swap3A_300, %swap3A_301], %swap3A_304 {strides = array<i32>} : memref<4x640xf32, #tpu.memory_space<vmem>>, vector<1x16xf32>,
      %swap3A_305 = arith.constant 3 : i32
      %swap3A_306 = arith.index_cast %swap3A_305 : i32 to index
      %swap3A_307 = arith.index_cast %add3A_269 : i32 to index
      %swap3A_308 = tpu.vector_load %arg7[%swap3A_306, %swap3A_307] {strides = array<i32>} : memref<4x640xf32, #tpu.memory_space<vmem>>, vector<1x16xf32>,
      %swap3A_309 = vector.shape_cast %swap3A_308 : vector<1x16xf32> to vector<16xf32>
      %swap3A_310 = vector.shape_cast %select_n3A_286 : vector<16xf32> to vector<1x16xf32>
      tpu.vector_store %arg7[%swap3A_306, %swap3A_307], %swap3A_310 {strides = array<i32>} : memref<4x640xf32, #tpu.memory_space<vmem>>, vector<1x16xf32>,
      %scan3A_311 = arith.constant 0 : i32
      scf.yield %scan3A_311 : i32
    }
    %scan3A_32 = arith.constant 10 : i32
    %run_scoped3A_33 = arith.constant 0 : i32
    "tpu.region"() ({
      %run_scoped3A_34 = tpu.sem_alloc : memref<!tpu.dma_semaphore, #tpu.memory_space<semaphore_mem>>
      %dma_start3A = arith.constant 0 : i32
      %dma_start3A_35 = tpu.memref_slice %arg5[%run_scoped3A_33, %dma_start3A, %mul3A_2] : memref<1x4x20480xf32, #tpu.memory_space<hbm>> -> memref<1x4x640xf32, #tpu.memory_space<hbm>>
      %dma_start3A_36 = tpu.memref_squeeze %dma_start3A_35 : memref<1x4x640xf32, #tpu.memory_space<hbm>> -> memref<4x640xf32, #tpu.memory_space<hbm>>
      %dma_start3A_37 = arith.constant 0 : i32
      %dma_start3A_38 = tpu.memref_slice %arg5[%run_scoped3A_33, %dma_start3A_37, %mul3A_2] : memref<1x4x20480xf32, #tpu.memory_space<hbm>> -> memref<1x4x640xf32, #tpu.memory_space<hbm>>
      %dma_start3A_39 = tpu.memref_squeeze %dma_start3A_38 : memref<1x4x640xf32, #tpu.memory_space<hbm>> -> memref<4x640xf32, #tpu.memory_space<hbm>>
      tpu.enqueue_dma source(%arg7 : memref<4x640xf32, #tpu.memory_space<vmem>>) target(%dma_start3A_39 : memref<4x640xf32, #tpu.memory_space<hbm>>) target_semaphore(%run_scoped3A_34 : memref<!tpu.dma_semaphore, #tpu.memory_space<semaphore_mem>>)
      %dma_wait3A = arith.constant 0 : i32
      %dma_wait3A_40 = tpu.memref_slice %arg5[%run_scoped3A_33, %dma_wait3A, %mul3A_2] : memref<1x4x20480xf32, #tpu.memory_space<hbm>> -> memref<1x4x640xf32, #tpu.memory_space<hbm>>
      %dma_wait3A_41 = tpu.memref_squeeze %dma_wait3A_40 : memref<1x4x640xf32, #tpu.memory_space<hbm>> -> memref<4x640xf32, #tpu.memory_space<hbm>>
      %dma_wait3A_42 = arith.constant 0 : i32
      %dma_wait3A_43 = tpu.memref_slice %arg5[%run_scoped3A_33, %dma_wait3A_42, %mul3A_2] : memref<1x4x20480xf32, #tpu.memory_space<hbm>> -> memref<1x4x640xf32, #tpu.memory_space<hbm>>
      %dma_wait3A_44 = tpu.memref_squeeze %dma_wait3A_43 : memref<1x4x640xf32, #tpu.memory_space<hbm>> -> memref<4x640xf32, #tpu.memory_space<hbm>>
      tpu.wait_dma2 semaphore(%run_scoped3A_34 : memref<!tpu.dma_semaphore, #tpu.memory_space<semaphore_mem>>) src(%arg7 : memref<4x640xf32, #tpu.memory_space<vmem>>) dst(%dma_wait3A_44 : memref<4x640xf32, #tpu.memory_space<hbm>>)
      tpu.yield
    }) : () -> ()
    return
  }
}

module attributes {stable_mosaic.version = 14 : i64} {
  func.func @_tc_detection_kernel(%arg0: i32, %arg1: i32, %arg2: memref<1x4x8x2500xf32, #tpu.memory_space<vmem>>, %arg3: memref<1x100x1xi32, #tpu.memory_space<smem>>, %arg4: memref<1x100x4xf32, #tpu.memory_space<smem>>, %arg5: memref<1x4x8x2500xf32, #tpu.memory_space<vmem>>) attributes {dimension_semantics = [#tpu.dimension_semantics<parallel>, #tpu.dimension_semantics<parallel>], iteration_bounds = array<i64: 7, 1>, scalar_prefetch = 0 : i64, scratch_operands = 0 : i64, tpu.core_type = #tpu.core_type<tc>, window_params = [{transform_indices = @transform_0, window_bounds = array<i64: 1, 4, 8, 2500>}, {transform_indices = @transform_1, window_bounds = array<i64: 1, 100, 1>}, {transform_indices = @transform_2, window_bounds = array<i64: 1, 100, 4>}, {transform_indices = @transform_3, window_bounds = array<i64: 1, 4, 8, 2500>}]} {
    %get3A = arith.constant 0 : index
    %get3A_0 = arith.constant 0 : index
    %get3A_1 = arith.constant 0 : index
    %get3A_2 = arith.constant 0 : index
    %get3A_3 = vector.load %arg2[%get3A, %get3A_0, %get3A_1, %get3A_2] : memref<1x4x8x2500xf32, #tpu.memory_space<vmem>>, vector<1x4x8x2500xf32>
    %get3A_4 = vector.shape_cast %get3A_3 : vector<1x4x8x2500xf32> to vector<4x8x2500xf32>
    %slice3A = vector.extract_strided_slice %get3A_4 {offsets = [0, 0, 0], sizes = [1, 8, 2500], strides = [1, 1, 1]} : vector<4x8x2500xf32> to vector<1x8x2500xf32>
    %squeeze3A = vector.shape_cast %slice3A : vector<1x8x2500xf32> to vector<8x2500xf32>
    %slice3A_5 = vector.extract_strided_slice %get3A_4 {offsets = [1, 0, 0], sizes = [1, 8, 2500], strides = [1, 1, 1]} : vector<4x8x2500xf32> to vector<1x8x2500xf32>
    %squeeze3A_6 = vector.shape_cast %slice3A_5 : vector<1x8x2500xf32> to vector<8x2500xf32>
    %slice3A_7 = vector.extract_strided_slice %get3A_4 {offsets = [2, 0, 0], sizes = [1, 8, 2500], strides = [1, 1, 1]} : vector<4x8x2500xf32> to vector<1x8x2500xf32>
    %squeeze3A_8 = vector.shape_cast %slice3A_7 : vector<1x8x2500xf32> to vector<8x2500xf32>
    %slice3A_9 = vector.extract_strided_slice %get3A_4 {offsets = [3, 0, 0], sizes = [1, 8, 2500], strides = [1, 1, 1]} : vector<4x8x2500xf32> to vector<1x8x2500xf32>
    %squeeze3A_10 = vector.shape_cast %slice3A_9 : vector<1x8x2500xf32> to vector<8x2500xf32>
    %sub3A = arith.subf %squeeze3A_8, %squeeze3A : vector<8x2500xf32>
    %sub3A_11 = arith.subf %squeeze3A_10, %squeeze3A_6 : vector<8x2500xf32>
    %mul3A = arith.mulf %sub3A, %sub3A_11 : vector<8x2500xf32>
    %broadcast_in_dim3A = arith.constant -1.000000e+00 : f32
    %broadcast_in_dim3A_12 = vector.broadcast %broadcast_in_dim3A : f32 to vector<8x2500xf32>
    %scan3A = arith.constant 0 : i32
    %scan3A_13 = arith.constant 100 : i32
    %scan3A_14 = arith.addi %scan3A, %scan3A_13 : i32
    %scan3A_15 = arith.constant 2 : i32
    %scan3A_16:2 = scf.for %scan3A_77 = %scan3A to %scan3A_14 step %scan3A_15 iter_args(%scan3A_78 = %broadcast_in_dim3A_12, %scan3A_79 = %broadcast_in_dim3A_12) -> (vector<8x2500xf32>, vector<8x2500xf32>)  : i32 {
      %get3A_80 = arith.constant 0 : index
      %get3A_81 = arith.index_cast %scan3A_77 : i32 to index
      %get3A_82 = arith.constant 0 : index
      %get3A_83 = memref.load %arg4[%get3A_80, %get3A_81, %get3A_82] : memref<1x100x4xf32, #tpu.memory_space<smem>>
      %get3A_84 = arith.constant 0 : index
      %get3A_85 = arith.index_cast %scan3A_77 : i32 to index
      %get3A_86 = arith.constant 1 : index
      %get3A_87 = memref.load %arg4[%get3A_84, %get3A_85, %get3A_86] : memref<1x100x4xf32, #tpu.memory_space<smem>>
      %get3A_88 = arith.constant 0 : index
      %get3A_89 = arith.index_cast %scan3A_77 : i32 to index
      %get3A_90 = arith.constant 2 : index
      %get3A_91 = memref.load %arg4[%get3A_88, %get3A_89, %get3A_90] : memref<1x100x4xf32, #tpu.memory_space<smem>>
      %get3A_92 = arith.constant 0 : index
      %get3A_93 = arith.index_cast %scan3A_77 : i32 to index
      %get3A_94 = arith.constant 3 : index
      %get3A_95 = memref.load %arg4[%get3A_92, %get3A_93, %get3A_94] : memref<1x100x4xf32, #tpu.memory_space<smem>>
      %get3A_96 = arith.constant 0 : index
      %get3A_97 = arith.index_cast %scan3A_77 : i32 to index
      %get3A_98 = arith.constant 0 : index
      %get3A_99 = memref.load %arg3[%get3A_96, %get3A_97, %get3A_98] : memref<1x100x1xi32, #tpu.memory_space<smem>>
      %abs3A_100 = math.absf %get3A_83 : f32
      %gt3A_101 = arith.constant 0.000000e+00 : f32
      %gt3A_102 = arith.cmpf ogt, %abs3A_100, %gt3A_101 : f32
      %abs3A_103 = math.absf %get3A_87 : f32
      %gt3A_104 = arith.constant 0.000000e+00 : f32
      %gt3A_105 = arith.cmpf ogt, %abs3A_103, %gt3A_104 : f32
      %or3A_106 = arith.ori %gt3A_102, %gt3A_105 : i1
      %abs3A_107 = math.absf %get3A_91 : f32
      %gt3A_108 = arith.constant 0.000000e+00 : f32
      %gt3A_109 = arith.cmpf ogt, %abs3A_107, %gt3A_108 : f32
      %or3A_110 = arith.ori %or3A_106, %gt3A_109 : i1
      %abs3A_111 = math.absf %get3A_95 : f32
      %gt3A_112 = arith.constant 0.000000e+00 : f32
      %gt3A_113 = arith.cmpf ogt, %abs3A_111, %gt3A_112 : f32
      %or3A_114 = arith.ori %or3A_110, %gt3A_113 : i1
      %gt3A_115 = arith.constant 0 : i32
      %gt3A_116 = arith.cmpi sgt, %get3A_99, %gt3A_115 : i32
      %and3A_117 = arith.andi %or3A_114, %gt3A_116 : i1
      %lt3A_118 = arith.constant 0 : i32
      %lt3A_119 = arith.cmpi slt, %get3A_99, %lt3A_118 : i32
      %and3A_120 = arith.andi %or3A_114, %lt3A_119 : i1
      %sub3A_121 = arith.subf %get3A_91, %get3A_83 : f32
      %sub3A_122 = arith.subf %get3A_95, %get3A_87 : f32
      %mul3A_123 = arith.mulf %sub3A_121, %sub3A_122 : f32
      %max3A = vector.broadcast %get3A_83 : f32 to vector<8x2500xf32>
      %max3A_124 = arith.maximumf %squeeze3A, %max3A : vector<8x2500xf32>
      %max3A_125 = vector.broadcast %get3A_87 : f32 to vector<8x2500xf32>
      %max3A_126 = arith.maximumf %squeeze3A_6, %max3A_125 : vector<8x2500xf32>
      %min3A = vector.broadcast %get3A_91 : f32 to vector<8x2500xf32>
      %min3A_127 = arith.minimumf %squeeze3A_8, %min3A : vector<8x2500xf32>
      %min3A_128 = vector.broadcast %get3A_95 : f32 to vector<8x2500xf32>
      %min3A_129 = arith.minimumf %squeeze3A_10, %min3A_128 : vector<8x2500xf32>
      %sub3A_130 = arith.subf %min3A_127, %max3A_124 : vector<8x2500xf32>
      %max3A_131 = arith.constant 0.000000e+00 : f32
      %max3A_132 = vector.broadcast %max3A_131 : f32 to vector<8x2500xf32>
      %max3A_133 = arith.maximumf %sub3A_130, %max3A_132 : vector<8x2500xf32>
      %sub3A_134 = arith.subf %min3A_129, %max3A_126 : vector<8x2500xf32>
      %max3A_135 = arith.constant 0.000000e+00 : f32
      %max3A_136 = vector.broadcast %max3A_135 : f32 to vector<8x2500xf32>
      %max3A_137 = arith.maximumf %sub3A_134, %max3A_136 : vector<8x2500xf32>
      %mul3A_138 = arith.mulf %max3A_133, %max3A_137 : vector<8x2500xf32>
      %add3A = vector.broadcast %mul3A_123 : f32 to vector<8x2500xf32>
      %add3A_139 = arith.addf %mul3A, %add3A : vector<8x2500xf32>
      %sub3A_140 = arith.subf %add3A_139, %mul3A_138 : vector<8x2500xf32>
      %max3A_141 = arith.constant 9.99999993E-9 : f32
      %max3A_142 = vector.broadcast %max3A_141 : f32 to vector<8x2500xf32>
      %max3A_143 = arith.maximumf %sub3A_140, %max3A_142 : vector<8x2500xf32>
      %div3A = arith.divf %mul3A_138, %max3A_143 : vector<8x2500xf32>
      %jit3A_144 = arith.constant -1.000000e+00 : f32
      %broadcast_in_dim3A_145 = vector.broadcast %jit3A_144 : f32 to vector<8x2500xf32>
      %select_n3A_146 = arith.select %and3A_117, %div3A, %broadcast_in_dim3A_145 : vector<8x2500xf32>
      %max3A_147 = arith.maximumf %scan3A_78, %select_n3A_146 : vector<8x2500xf32>
      %jit3A_148 = arith.constant -1.000000e+00 : f32
      %broadcast_in_dim3A_149 = vector.broadcast %jit3A_148 : f32 to vector<8x2500xf32>
      %select_n3A_150 = arith.select %and3A_120, %div3A, %broadcast_in_dim3A_149 : vector<8x2500xf32>
      %max3A_151 = arith.maximumf %scan3A_79, %select_n3A_150 : vector<8x2500xf32>
      %scan3A_152 = arith.constant 1 : i32
      %scan3A_153 = arith.addi %scan3A_77, %scan3A_152 : i32
      %get3A_154 = arith.constant 0 : index
      %get3A_155 = arith.index_cast %scan3A_153 : i32 to index
      %get3A_156 = arith.constant 0 : index
      %get3A_157 = memref.load %arg4[%get3A_154, %get3A_155, %get3A_156] : memref<1x100x4xf32, #tpu.memory_space<smem>>
      %get3A_158 = arith.constant 0 : index
      %get3A_159 = arith.index_cast %scan3A_153 : i32 to index
      %get3A_160 = arith.constant 1 : index
      %get3A_161 = memref.load %arg4[%get3A_158, %get3A_159, %get3A_160] : memref<1x100x4xf32, #tpu.memory_space<smem>>
      %get3A_162 = arith.constant 0 : index
      %get3A_163 = arith.index_cast %scan3A_153 : i32 to index
      %get3A_164 = arith.constant 2 : index
      %get3A_165 = memref.load %arg4[%get3A_162, %get3A_163, %get3A_164] : memref<1x100x4xf32, #tpu.memory_space<smem>>
      %get3A_166 = arith.constant 0 : index
      %get3A_167 = arith.index_cast %scan3A_153 : i32 to index
      %get3A_168 = arith.constant 3 : index
      %get3A_169 = memref.load %arg4[%get3A_166, %get3A_167, %get3A_168] : memref<1x100x4xf32, #tpu.memory_space<smem>>
      %get3A_170 = arith.constant 0 : index
      %get3A_171 = arith.index_cast %scan3A_153 : i32 to index
      %get3A_172 = arith.constant 0 : index
      %get3A_173 = memref.load %arg3[%get3A_170, %get3A_171, %get3A_172] : memref<1x100x1xi32, #tpu.memory_space<smem>>
      %abs3A_174 = math.absf %get3A_157 : f32
      %gt3A_175 = arith.constant 0.000000e+00 : f32
      %gt3A_176 = arith.cmpf ogt, %abs3A_174, %gt3A_175 : f32
      %abs3A_177 = math.absf %get3A_161 : f32
      %gt3A_178 = arith.constant 0.000000e+00 : f32
      %gt3A_179 = arith.cmpf ogt, %abs3A_177, %gt3A_178 : f32
      %or3A_180 = arith.ori %gt3A_176, %gt3A_179 : i1
      %abs3A_181 = math.absf %get3A_165 : f32
      %gt3A_182 = arith.constant 0.000000e+00 : f32
      %gt3A_183 = arith.cmpf ogt, %abs3A_181, %gt3A_182 : f32
      %or3A_184 = arith.ori %or3A_180, %gt3A_183 : i1
      %abs3A_185 = math.absf %get3A_169 : f32
      %gt3A_186 = arith.constant 0.000000e+00 : f32
      %gt3A_187 = arith.cmpf ogt, %abs3A_185, %gt3A_186 : f32
      %or3A_188 = arith.ori %or3A_184, %gt3A_187 : i1
      %gt3A_189 = arith.constant 0 : i32
      %gt3A_190 = arith.cmpi sgt, %get3A_173, %gt3A_189 : i32
      %and3A_191 = arith.andi %or3A_188, %gt3A_190 : i1
      %lt3A_192 = arith.constant 0 : i32
      %lt3A_193 = arith.cmpi slt, %get3A_173, %lt3A_192 : i32
      %and3A_194 = arith.andi %or3A_188, %lt3A_193 : i1
      %sub3A_195 = arith.subf %get3A_165, %get3A_157 : f32
      %sub3A_196 = arith.subf %get3A_169, %get3A_161 : f32
      %mul3A_197 = arith.mulf %sub3A_195, %sub3A_196 : f32
      %max3A_198 = vector.broadcast %get3A_157 : f32 to vector<8x2500xf32>
      %max3A_199 = arith.maximumf %squeeze3A, %max3A_198 : vector<8x2500xf32>
      %max3A_200 = vector.broadcast %get3A_161 : f32 to vector<8x2500xf32>
      %max3A_201 = arith.maximumf %squeeze3A_6, %max3A_200 : vector<8x2500xf32>
      %min3A_202 = vector.broadcast %get3A_165 : f32 to vector<8x2500xf32>
      %min3A_203 = arith.minimumf %squeeze3A_8, %min3A_202 : vector<8x2500xf32>
      %min3A_204 = vector.broadcast %get3A_169 : f32 to vector<8x2500xf32>
      %min3A_205 = arith.minimumf %squeeze3A_10, %min3A_204 : vector<8x2500xf32>
      %sub3A_206 = arith.subf %min3A_203, %max3A_199 : vector<8x2500xf32>
      %max3A_207 = arith.constant 0.000000e+00 : f32
      %max3A_208 = vector.broadcast %max3A_207 : f32 to vector<8x2500xf32>
      %max3A_209 = arith.maximumf %sub3A_206, %max3A_208 : vector<8x2500xf32>
      %sub3A_210 = arith.subf %min3A_205, %max3A_201 : vector<8x2500xf32>
      %max3A_211 = arith.constant 0.000000e+00 : f32
      %max3A_212 = vector.broadcast %max3A_211 : f32 to vector<8x2500xf32>
      %max3A_213 = arith.maximumf %sub3A_210, %max3A_212 : vector<8x2500xf32>
      %mul3A_214 = arith.mulf %max3A_209, %max3A_213 : vector<8x2500xf32>
      %add3A_215 = vector.broadcast %mul3A_197 : f32 to vector<8x2500xf32>
      %add3A_216 = arith.addf %mul3A, %add3A_215 : vector<8x2500xf32>
      %sub3A_217 = arith.subf %add3A_216, %mul3A_214 : vector<8x2500xf32>
      %max3A_218 = arith.constant 9.99999993E-9 : f32
      %max3A_219 = vector.broadcast %max3A_218 : f32 to vector<8x2500xf32>
      %max3A_220 = arith.maximumf %sub3A_217, %max3A_219 : vector<8x2500xf32>
      %div3A_221 = arith.divf %mul3A_214, %max3A_220 : vector<8x2500xf32>
      %jit3A_222 = arith.constant -1.000000e+00 : f32
      %broadcast_in_dim3A_223 = vector.broadcast %jit3A_222 : f32 to vector<8x2500xf32>
      %select_n3A_224 = arith.select %and3A_191, %div3A_221, %broadcast_in_dim3A_223 : vector<8x2500xf32>
      %max3A_225 = arith.maximumf %max3A_147, %select_n3A_224 : vector<8x2500xf32>
      %jit3A_226 = arith.constant -1.000000e+00 : f32
      %broadcast_in_dim3A_227 = vector.broadcast %jit3A_226 : f32 to vector<8x2500xf32>
      %select_n3A_228 = arith.select %and3A_194, %div3A_221, %broadcast_in_dim3A_227 : vector<8x2500xf32>
      %max3A_229 = arith.maximumf %max3A_151, %select_n3A_228 : vector<8x2500xf32>
      scf.yield %max3A_225, %max3A_229 : vector<8x2500xf32>, vector<8x2500xf32>
    }
    %scan3A_17 = arith.constant 100 : i32
    %abs3A = math.absf %squeeze3A : vector<8x2500xf32>
    %gt3A = arith.constant 0.000000e+00 : f32
    %gt3A_18 = vector.broadcast %gt3A : f32 to vector<8x2500xf32>
    %gt3A_19 = arith.cmpf ogt, %abs3A, %gt3A_18 : vector<8x2500xf32>
    %abs3A_20 = math.absf %squeeze3A_6 : vector<8x2500xf32>
    %gt3A_21 = arith.constant 0.000000e+00 : f32
    %gt3A_22 = vector.broadcast %gt3A_21 : f32 to vector<8x2500xf32>
    %gt3A_23 = arith.cmpf ogt, %abs3A_20, %gt3A_22 : vector<8x2500xf32>
    %or3A = arith.ori %gt3A_19, %gt3A_23 : vector<8x2500xi1>
    %abs3A_24 = math.absf %squeeze3A_8 : vector<8x2500xf32>
    %gt3A_25 = arith.constant 0.000000e+00 : f32
    %gt3A_26 = vector.broadcast %gt3A_25 : f32 to vector<8x2500xf32>
    %gt3A_27 = arith.cmpf ogt, %abs3A_24, %gt3A_26 : vector<8x2500xf32>
    %or3A_28 = arith.ori %or3A, %gt3A_27 : vector<8x2500xi1>
    %abs3A_29 = math.absf %squeeze3A_10 : vector<8x2500xf32>
    %gt3A_30 = arith.constant 0.000000e+00 : f32
    %gt3A_31 = vector.broadcast %gt3A_30 : f32 to vector<8x2500xf32>
    %gt3A_32 = arith.cmpf ogt, %abs3A_29, %gt3A_31 : vector<8x2500xf32>
    %or3A_33 = arith.ori %or3A_28, %gt3A_32 : vector<8x2500xi1>
    %jit3A = arith.constant -1.000000e+00 : f32
    %broadcast_in_dim3A_34 = vector.broadcast %jit3A : f32 to vector<8x2500xf32>
    %select_n3A = arith.select %or3A_33, %scan3A_16#0, %broadcast_in_dim3A_34 : vector<8x2500xi1>, vector<8x2500xf32>
    %jit3A_35 = arith.constant -1.000000e+00 : f32
    %broadcast_in_dim3A_36 = vector.broadcast %jit3A_35 : f32 to vector<8x2500xf32>
    %select_n3A_37 = arith.select %or3A_33, %scan3A_16#1, %broadcast_in_dim3A_36 : vector<8x2500xi1>, vector<8x2500xf32>
    %ge3A = arith.constant 5.000000e-01 : f32
    %ge3A_38 = vector.broadcast %ge3A : f32 to vector<8x2500xf32>
    %ge3A_39 = arith.cmpf oge, %select_n3A, %ge3A_38 : vector<8x2500xf32>
    %and3A = arith.andi %ge3A_39, %or3A_33 : vector<8x2500xi1>
    %convert_element_type3A = arith.extui %and3A : vector<8x2500xi1> to vector<8x2500xi32>
    %convert_element_type3A_40 = arith.sitofp %convert_element_type3A : vector<8x2500xi32> to vector<8x2500xf32>
    %lt3A = arith.constant 5.000000e-01 : f32
    %lt3A_41 = vector.broadcast %lt3A : f32 to vector<8x2500xf32>
    %lt3A_42 = arith.cmpf olt, %select_n3A, %lt3A_41 : vector<8x2500xf32>
    %lt3A_43 = arith.constant 1.000000e-03 : f32
    %lt3A_44 = vector.broadcast %lt3A_43 : f32 to vector<8x2500xf32>
    %lt3A_45 = arith.cmpf olt, %select_n3A_37, %lt3A_44 : vector<8x2500xf32>
    %and3A_46 = arith.andi %lt3A_42, %lt3A_45 : vector<8x2500xi1>
    %and3A_47 = arith.andi %and3A_46, %or3A_33 : vector<8x2500xi1>
    %convert_element_type3A_48 = arith.extui %and3A_47 : vector<8x2500xi1> to vector<8x2500xi32>
    %convert_element_type3A_49 = arith.sitofp %convert_element_type3A_48 : vector<8x2500xi32> to vector<8x2500xf32>
    %swap3A = arith.constant 0 : index
    %swap3A_50 = arith.constant 0 : index
    %swap3A_51 = arith.constant 0 : index
    %swap3A_52 = arith.constant 0 : index
    %swap3A_53 = vector.load %arg5[%swap3A, %swap3A_50, %swap3A_51, %swap3A_52] : memref<1x4x8x2500xf32, #tpu.memory_space<vmem>>, vector<1x1x8x2500xf32>
    %swap3A_54 = vector.shape_cast %swap3A_53 : vector<1x1x8x2500xf32> to vector<8x2500xf32>
    %swap3A_55 = vector.shape_cast %select_n3A : vector<8x2500xf32> to vector<1x1x8x2500xf32>
    tpu.vector_store %arg5[%swap3A, %swap3A_50, %swap3A_51, %swap3A_52], %swap3A_55 {strides = array<i32>} : memref<1x4x8x2500xf32, #tpu.memory_space<vmem>>, vector<1x1x8x2500xf32>,
    %swap3A_56 = arith.constant 0 : index
    %swap3A_57 = arith.constant 1 : index
    %swap3A_58 = arith.constant 0 : index
    %swap3A_59 = arith.constant 0 : index
    %swap3A_60 = vector.load %arg5[%swap3A_56, %swap3A_57, %swap3A_58, %swap3A_59] : memref<1x4x8x2500xf32, #tpu.memory_space<vmem>>, vector<1x1x8x2500xf32>
    %swap3A_61 = vector.shape_cast %swap3A_60 : vector<1x1x8x2500xf32> to vector<8x2500xf32>
    %swap3A_62 = vector.shape_cast %select_n3A_37 : vector<8x2500xf32> to vector<1x1x8x2500xf32>
    tpu.vector_store %arg5[%swap3A_56, %swap3A_57, %swap3A_58, %swap3A_59], %swap3A_62 {strides = array<i32>} : memref<1x4x8x2500xf32, #tpu.memory_space<vmem>>, vector<1x1x8x2500xf32>,
    %swap3A_63 = arith.constant 0 : index
    %swap3A_64 = arith.constant 2 : index
    %swap3A_65 = arith.constant 0 : index
    %swap3A_66 = arith.constant 0 : index
    %swap3A_67 = vector.load %arg5[%swap3A_63, %swap3A_64, %swap3A_65, %swap3A_66] : memref<1x4x8x2500xf32, #tpu.memory_space<vmem>>, vector<1x1x8x2500xf32>
    %swap3A_68 = vector.shape_cast %swap3A_67 : vector<1x1x8x2500xf32> to vector<8x2500xf32>
    %swap3A_69 = vector.shape_cast %convert_element_type3A_40 : vector<8x2500xf32> to vector<1x1x8x2500xf32>
    tpu.vector_store %arg5[%swap3A_63, %swap3A_64, %swap3A_65, %swap3A_66], %swap3A_69 {strides = array<i32>} : memref<1x4x8x2500xf32, #tpu.memory_space<vmem>>, vector<1x1x8x2500xf32>,
    %swap3A_70 = arith.constant 0 : index
    %swap3A_71 = arith.constant 3 : index
    %swap3A_72 = arith.constant 0 : index
    %swap3A_73 = arith.constant 0 : index
    %swap3A_74 = vector.load %arg5[%swap3A_70, %swap3A_71, %swap3A_72, %swap3A_73] : memref<1x4x8x2500xf32, #tpu.memory_space<vmem>>, vector<1x1x8x2500xf32>
    %swap3A_75 = vector.shape_cast %swap3A_74 : vector<1x1x8x2500xf32> to vector<8x2500xf32>
    %swap3A_76 = vector.shape_cast %convert_element_type3A_49 : vector<8x2500xf32> to vector<1x1x8x2500xf32>
    tpu.vector_store %arg5[%swap3A_70, %swap3A_71, %swap3A_72, %swap3A_73], %swap3A_76 {strides = array<i32>} : memref<1x4x8x2500xf32, #tpu.memory_space<vmem>>, vector<1x1x8x2500xf32>,
    return
  }
  func.func @transform_0(%arg0: i32, %arg1: i32) -> (i32, i32, i32, i32) {
    %c0_i32 = arith.constant 0 : i32
    %c0_i32_0 = arith.constant 0 : i32
    %c0_i32_1 = arith.constant 0 : i32
    return %arg0, %c0_i32, %arg1, %c0_i32_0 : i32, i32, i32, i32
  }
  func.func @transform_1(%arg0: i32, %arg1: i32) -> (i32, i32, i32) {
    %c0_i32 = arith.constant 0 : i32
    %c0_i32_0 = arith.constant 0 : i32
    %c0_i32_1 = arith.constant 0 : i32
    return %arg0, %c0_i32, %c0_i32_0 : i32, i32, i32
  }
  func.func @transform_2(%arg0: i32, %arg1: i32) -> (i32, i32, i32) {
    %c0_i32 = arith.constant 0 : i32
    %c0_i32_0 = arith.constant 0 : i32
    %c0_i32_1 = arith.constant 0 : i32
    return %arg0, %c0_i32, %c0_i32_0 : i32, i32, i32
  }
  func.func @transform_3(%arg0: i32, %arg1: i32) -> (i32, i32, i32, i32) {
    %c0_i32 = arith.constant 0 : i32
    %c0_i32_0 = arith.constant 0 : i32
    %c0_i32_1 = arith.constant 0 : i32
    return %arg0, %c0_i32, %arg1, %c0_i32_0 : i32, i32, i32, i32
  }
}

</mosaic_0001>

<sc_bundles>
// kernel: kernel.4.cloned.1.call-start
scs
__scs_entry_jumppad:
0x0: {  	(pc) =	sbr.rel $0x88, $3  }
0x1: {  	(tag) =	ssettag $0x0;
	lr =	simm.s32 $0x1  }
0x2: {  	[smem:$0x3F9E] =	sst lr;
	_ =	strace $0xD0000000  }
0x3: {  	_ = 	snop  }
0x4: {  	_ = 	snop  }
0x5: {  	_ = 	snop  }
0x6: {  	_ = 	snop  }
0x7: {  	_ = 	snop  }
__scs_overlays_trampoline_lowered:
0x8: {  	[smem:$0x3FAD] =	sst s0  }
0x9: {  	[smem:$0x3FAE] =	sst s1  }
0xa: {  	[smem:$0x3FAF] =	sst s2  }
0xb: {  	[smem:$0x3FB0] =	sst s3  }
0xc: {  	[smem:$0x3FB1] =	sst s4  }
0xd: {  	[smem:$0x3FB2] =	sst s5  }
0xe: {  	[smem:$0x3FB3] =	sst s6  }
0xf: {  	[smem:$0x3FB4] =	sst s7  }
0x10: {  	[smem:$0x3FB5] =	sst s8  }
0x11: {  	[smem:$0x3FB6] =	sst s9;
	s0 =	simm.s32 @!p0 $0x0  }
0x12: {  	s1 =	sld [smem:$0x3F9C];
	s0 =	simm.s32 @p0 $0x1  }
0x13: {  	[smem:$0x3FB7] =	sst s0;
	s0 =	simm.s32 @!p1 $0x0  }
0x14: {  	s2 =	sld [smem:$0x3F9B];
	s0 =	simm.s32 @p1 $0x1  }
0x15: {  	[smem:$0x3FB8] =	sst s0;
	s0 =	simm.s32 @!p2 $0x0  }
0x16: {  	s3 =	sld [smem:$0x3FDB];
	s0 =	simm.s32 @p2 $0x1  }
0x17: {  	s4 =	simm.s32 $0x1BF5;
	[smem:$0x3FBA] =	sst s0  }
0x18: {  	s0 =	sld [smem:$0x3F9D];
	_ =	swait.ge [sflag:s4], $0x0  }
0x19: {  	s7 =	sld [smem:$0x3F9E]  }
0x1a: {  	s8 =	sadd.s32 $0xFFFFE003, lr  }
0x1b: {  	s9 =	sadd.s32 $0xFFFFFEF7, lr;
	s5 =	simm.s32 $0xFFFFFFFF;
	p2 =	slt.u32 s8, $0xFFFFF086  }
0x1c: {  	p1 =	slt.u32 s9, $0xF7A;
	s5 =	simm.s32 @!p2 $0x0  }
0x1d: {  	s5 =	simm.s32 @p1 $0x1;
	p0 =	seq.s32 s7, s2  }
0x1e: {  	s7 =	smul.u32 @!p0 $0xF7A, s2;
	p2 =	seq.s32 @!p0 s5, $0x0  }
0x1f: {  	s9 =	smul.u32 $0xF7A, s1;
	s8 =	simm.s32 @!p0 $0x1BF5;
	p2 =	por !p2, p0  }
0x20: {  	[sflag:s8] =	ssyncset.s32 @!p0 $0xFFFFF086;
	s6 =	sadd.s32 @!p0 s3, s7;
	s7 =	simm.s32 @!p0 $0x108  }
0x21: {  	s3 =	sadd.s32 s3, s9;
	s6 =	sadd.s32 @!p0 $0x88, s6;
	s7 =	simm.s32 @p2 $0x1082  }
0x22: {  	[simem:s7], [sflag:s8] =	dma.local @!p0 [hbm:s6], $0xF7A  }
0x23: {  	s9 =	sor.u32 $0xD0000000, s2;
	s6 =	simm.s32 $0x108;
	_ =	swait.ge @!p0 [sflag:s8], $0x0  }
0x24: {  	s3 =	sadd.s32 $0x88, s3;
	s6 =	simm.s32 @!p1 $0x1082;
	[sflag:s4] =	ssyncset.s32 $0xFFFFF086  }
0x25: {  	[simem:s6], [sflag:s4] =	dma.local [hbm:s3], $0xF7A  }
0x26: {  	[smem:$0x3F9E] =	sst s1;
	(tag) =	ssettag s2;
	_ =	strace s9  }
0x27: {  	s1 =	sld [smem:$0x3FAE]  }
0x28: {  	s2 =	sld [smem:$0x3FAF]  }
0x29: {  	s4 =	sld [smem:$0x3FB1]  }
0x2a: {  	p0 =	seq.s32 s5, $0x0;
	s5 =	sld [smem:$0x3FB2]  }
0x2b: {  	s6 =	sld [smem:$0x3FB3]  }
0x2c: {  	s7 =	sld [smem:$0x3FB4]  }
0x2d: {  	s3 =	simm.s32 $0x108;
	s8 =	sld [smem:$0x3FB5]  }
0x2e: {  	s3 =	simm.s32 @!p0 $0x1082;
	s9 =	sld [smem:$0x3FB6]  }
0x2f: {  	lr =	sadd.s32 s0, s3;
	s0 =	sld [smem:$0x3FAD]  }
0x30: {  	s3 =	sld [smem:$0x3FB0]  }
0x31: {  	[smem:$0x3FB9] =	sst s10  }
0x32: {  	s10 =	sld [smem:$0x3FB7];
	_ =	sdelay $0x3  }
0x33: {  	p0 =	seq.s32 s10, $0x1;
	s10 =	sld [smem:$0x3FB9];
	_ =	sdelay $0x3  }
0x34: {  	[smem:$0x3FB9] =	sst s10  }
0x35: {  	s10 =	sld [smem:$0x3FB8];
	_ =	sdelay $0x3  }
0x36: {  	p1 =	seq.s32 s10, $0x1;
	s10 =	sld [smem:$0x3FB9];
	_ =	sdelay $0x3  }
0x37: {  	[smem:$0x3FB9] =	sst s10  }
0x38: {  	s10 =	sld [smem:$0x3FBA]  }
0x39: {  	_ = 	snop;
	(pc) =	sbr.ind lr, $3  }
0x3a: {  	_ = 	snop  }
0x3b: {  	_ = 	snop  }
0x3c: {  	p2 =	seq.s32 s10, $0x1;
	s10 =	sld [smem:$0x3FB9]  }
0x3d: {  	_ =	shalt  }
0x3e: {  	_ =	shalt  }
0x3f: {  	_ =	shalt  }
0x40: {  	_ =	shalt  }
0x41: {  	_ =	shalt  }
0x42: {  	_ =	shalt  }
0x43: {  	_ =	shalt  }
0x44: {  	_ =	shalt  }
0x45: {  	_ =	shalt  }
0x46: {  	_ =	shalt  }
0x47: {  	_ =	shalt  }
0x48: {  	_ =	shalt  }
0x49: {  	_ =	shalt  }
0x4a: {  	_ =	shalt  }
0x4b: {  	_ =	shalt  }
0x4c: {  	_ =	shalt  }
0x4d: {  	_ =	shalt  }
0x4e: {  	_ =	shalt  }
0x4f: {  	_ =	shalt  }
0x50: {  	_ =	shalt  }
0x51: {  	_ =	shalt  }
0x52: {  	_ =	shalt  }
0x53: {  	_ =	shalt  }
0x54: {  	_ =	shalt  }
0x55: {  	_ =	shalt  }
0x56: {  	_ =	shalt  }
0x57: {  	_ =	shalt  }
0x58: {  	_ =	shalt  }
0x59: {  	_ =	shalt  }
0x5a: {  	_ =	shalt  }
0x5b: {  	_ =	shalt  }
0x5c: {  	_ =	shalt  }
0x5d: {  	_ =	shalt  }
0x5e: {  	_ =	shalt  }
0x5f: {  	_ =	shalt  }
0x60: {  	_ =	shalt  }
0x61: {  	_ =	shalt  }
0x62: {  	_ =	shalt  }
0x63: {  	_ =	shalt  }
0x64: {  	_ =	shalt  }
0x65: {  	_ =	shalt  }
0x66: {  	_ =	shalt  }
0x67: {  	_ =	shalt  }
0x68: {  	_ =	shalt  }
0x69: {  	_ =	shalt  }
0x6a: {  	_ =	shalt  }
0x6b: {  	_ =	shalt  }
0x6c: {  	_ =	shalt  }
0x6d: {  	_ =	shalt  }
0x6e: {  	_ =	shalt  }
0x6f: {  	_ =	shalt  }
0x70: {  	_ =	shalt  }
0x71: {  	_ =	shalt  }
0x72: {  	_ =	shalt  }
0x73: {  	_ =	shalt  }
0x74: {  	_ =	shalt  }
0x75: {  	_ =	shalt  }
0x76: {  	_ =	shalt  }
0x77: {  	_ =	shalt  }
0x78: {  	_ =	shalt  }
0x79: {  	_ =	shalt  }
0x7a: {  	_ =	shalt  }
0x7b: {  	_ =	shalt  }
0x7c: {  	_ =	shalt  }
0x7d: {  	_ =	shalt  }
0x7e: {  	_ =	shalt  }
0x7f: {  	_ =	shalt  }
0x80: {  	_ =	shalt  }
0x81: {  	_ =	shalt  }
0x82: {  	_ =	shalt  }
0x83: {  	_ =	shalt  }
0x84: {  	_ =	shalt  }
0x85: {  	_ =	shalt  }
0x86: {  	_ =	shalt  }
0x87: {  	_ =	shalt  }
.Lfunc_end0:
.L_simem_size_0:
called_computation_lowered:
.L_overlay_start_0:
0x88: {  	s2 =	sld [smem:$0x3FD9]  }
0x89: {  	s3 =	sld [smem:$0x3FFE];
	_ =	sdelay $0x1  }
0x8a: {  	s1 =	srdreg.scid  }
0x8b: {  	s0 =	sand.u32 $0x1, s1  }
0x8c: {  	s17 =	sshll.u32 s0, $0xA;
	s2 =	sadd.s32 s3, s2  }
0x8d: {  	s2 =	sadd.s32 s2, s17  }
0x8e: {  	[smem:$0x3FC5] =	sst s2  }
0x8f: {  	_ = 	snop  }
0x90: {  	s2 =	sld [smem:$0x3FD0];
	(tm) =	ssettm $0x1  }
0x91: {  	s18 =	sld [smem:$0x3FFB];
	_ =	sdelay $0x3  }
0x92: {  	_ =	strace s18  }
0x93: {  	s3 =	sld [smem:$0x3FFC];
	_ =	sdelay $0x3  }
0x94: {  	_ =	strace s3  }
0x95: {  	s3 =	sld [smem:$0x3FFD];
	_ =	sdelay $0x3  }
0x96: {  	_ =	strace s3  }
0x97: {  	_ =	strace $0x8FFFFFFF  }
0x98: {  	s19 =	sld [smem:$0x3FDB];
	_ =	sdelay $0x1  }
0x99: {  	s4 =	simm.s32 $_scs_section_size  }
0x9a: {  	s5 =	simm.s32 $_size__tile_overlayer_lowered;
	s6 =	simm.s32 $_tile_overlayer_lowered  }
0x9b: {  	s22 =	simm.s32 $0x1BFF;
	s21 =	sshll.u32 s6, $0x1;
	s3 =	sadd.s32 s4, s19  }
0x9c: {  	s7 =	simm.s32 $0x0;
	s20 =	sshll.u32 s5, $0x1;
	s5 =	sadd.s32 s21, s3  }
0x9d: {  	[timem:s7], [sflag:s22] =	dma.local [hbm:s5], s20  }
0x9e: {  	_ =	swait.ge [sflag:s22], s20  }
0x9f: {  	s4 =	ssub.s32 $0x0, s20;
	[sflag:s22] =	ssyncset.done $0x0  }
0xa0: {  	[sflag:s22] =	ssyncadd.s32 s4;
	_ =	sdelay $0x1  }
0xa1: {  	s23 =	simm.s32 $0x1B8B  }
0xa2: {  	_ =	swait.ge [sflag:s23], $0x1  }
0xa3: {  	[sflag:s23] =	ssyncset.done $0x0  }
0xa4: {  	s25 =	simm.s32 $0x1B8E;
	s24 =	sld [smem:$0x3FFE];
	[sflag:s23] =	ssyncadd.s32 $0xFFFFFFFF  }
0xa5: {  	s26 =	simm.s32 $execute0_lowered;
	[smem:$0x3FD2] =	sst s25  }
0xa6: {  	s5 =	sshll.u32 s26, $0x1;
	_ =	strace $0x80000046;
	[dreg:$0x1] =	wrdreg $0xFFFFFFFF  }
0xa7: {  	s28 =	simm.s32 $_size_execute0_lowered;
	s3 =	sadd.s32 s3, s5;
	[dreg:$0x0] =	wrdreg $0x0  }
0xa8: {  	s5 =	sshll.u32 s28, $0x1;
	[dreg:$0x2] =	wrdreg s3  }
0xa9: {  	[dreg:$0x3] =	wrdreg s5  }
0xaa: {  	[dreg:$0x4] =	wrdreg $0xC0  }
0xab: {  	_ =	task [dreg:s7], $0x5FFFF  }
0xac: {  	[dreg:$0x1] =	wrdreg $0xFFFFFFFF  }
0xad: {  	[dreg:$0x0] =	wrdreg $0x60  }
0xae: {  	[dreg:$0x2] =	wrdreg s2  }
0xaf: {  	[dreg:$0x3] =	wrdreg s24  }
0xb0: {  	[dreg:$0x4] =	wrdreg $0x9  }
0xb1: {  	_ =	task.clear_ibuf [dreg:s7], $0x5FFFF;
	_ =	strace $0x90000046  }
0xb2: {  	s29 =	simm.s32 $0x9;
	_ =	strace $0x80000048  }
0xb3: {  	_ =	swait.ge [sflag:s29], $0x1  }
0xb4: {  	[sflag:s29] =	ssyncadd.s32 $0xFFFFFFFF  }
0xb5: {  	_ =	strace $0x90000048  }
0xb6: {  	_ =	sfence  }
0xb7: {  	s30 =	sld [smem:$0x0];
	_ =	sdelay $0x2  }
0xb8: {  	s31 =	sshll.u32 s1, $0xD;
	s1 =	sshrl.u32 s1, $0x2  }
0xb9: {  	s3 =	sand.u32 $0x4000, s31;
	s1 =	sadd.s32 s1, s30  }
0xba: {  	s0 =	sor.u32 s3, s0;
	s1 =	sshll.u32 s1, $0x11  }
0xbb: {  	s0 =	sor.u32 s1, s0  }
0xbc: {  	s0 =	sadd.s32 $0x8F2B, s0  }
0xbd: {  	[sflag:s0] =	ssyncadd.remote.s32 $0x1  }
0xbe: {  	_ =	sfence.sel $0xFFFF  }
0xbf: {  	[dreg:$0x0] =	wrdreg $0xFFFFFFFF;
	(pc) =	sbr.abs _section_cstart, $3  }
0xc0: {  	[dreg:$0x1] =	wrdreg $0xFFFFFFFF  }
0xc1: {  	_ =	task.clear_ibuf [dreg:s7], $0x2FFFF;
	_ =	strace $0x9FFFFFFF  }
0xc2: {  	(tm) =	ssettm $0x7FFFFFFF  }
0xc3: {  	_ =	shalt  }
tec
execute0_lowered:
.L_overlay_start_1:
0x0: {  	(tag) =	ssettag $0x1  }
0x1: {  	s0 =	rddreg [dreg:$0x0]  }
0x2: {  	s1 =	srdreg.scid;
	s2 =	stileid.u32  }
0x3: {  	s5 =	rddreg [dreg:$0x1];
	s9 =	simm.s32 $0x1;
	s10 =	simm.s32 $0xE400  }
0x4: {  	s11 =	simm.s32 $0xA00;
	s1 =	sand.u32 $0x1, s1;
	s3 =	sshll.u32 s2, $0x1  }
0x5: {  	s12 =	simm.s32 $0x0;
	s2 =	simm.s32 $0x0;
	s3 =	sor.u32 s1, s3  }
0x6: {  	[smem:$0x7FF] =	sst s2;
	s1 =	ssub.s32 $0x2, s1;
	s6 =	smul.u32 $0x140, s3  }
0x7: {  	s4 =	sadd.s32 $0xC00, s5;
	_ =	strace $0x80000047;
	s31 =	sshrl.u32 s1, $0x1  }
0x8: {  	s3 =	sadd.s32 $0x2600, s5;
	s1 =	ssub.s32 s1, s31;
	s7 =	sadd.s32 s6, s5  }
0x9: {  	v0 =	vimm.f32 $-1.000000000e+00;
	s5 =	sadd.s32 s0, s6;
	s6 =	sadd.s32 $0x2E00, s7;
	s7 =	smax.u32 s1, $0x1  }
.LBB2_1:
0xa: {  	s0 =	simm.s32 $0x1400  }
0xb: {  	[tilespmem:s0], [sflag:$0x1] =	stream.linear.gather [hbm4b:s4+s2], $0xD000, $0x38;
	[tilespmem:$0x1B400] =	vst v63  }
0xc: {  	_ =	swait.ge [sflag:s9], $0xD000  }
0xd: {  	[sflag:s9] =	ssyncset.done $0x0  }
0xe: {  	[sflag:s9] =	ssyncadd.s32 $0xFFFF3000  }
0xf: {  	[tilespmem:s10], [sflag:$0x1] =	stream.linear.gather [hbm4b:s3+s2], $0x3400, $0x38;
	[tilespmem:$0x1B400] =	vst v63  }
0x10: {  	_ =	swait.ge [sflag:s9], $0x3400  }
0x11: {  	[sflag:s9] =	ssyncset.done $0x0  }
0x12: {  	[sflag:s9] =	ssyncadd.s32 $0xFFFFCC00  }
0x13: {  	[tilespmem:s2], [sflag:$0x1] =	stream.linear.gather [hbm4b:s5+s2], $0xA00, $0x38;
	[tilespmem:$0x1B400] =	vst v63  }
0x14: {  	_ =	swait.ge [sflag:s9], $0xA00  }
0x15: {  	[sflag:s9] =	ssyncset.done $0x0  }
0x16: {  	s1 =	simm.s32 $0x0;
	[sflag:s9] =	ssyncadd.s32 $0xFFFFF600  }
0x17: {  	v3 =	vld [tilespmem:s1+$0xB000]  }
0x18: {  	v5 =	vld [tilespmem:s1+$0x7C00]  }
0x19: {  	v6 =	vld [tilespmem:s1+$0x1400]  }
0x1a: {  	v7 =	vld [tilespmem:s1+$0x4800];
	_ =	sdelay $0x3  }
0x1b: {  	s0 =	simm.s32 $0x80;
	v10 =	vld [tilespmem:s1+$0xE400];
	vm0 =	vlt.f32 v6, $0.0e+00;
	vm1 =	vlt.f32 v5, $0.0e+00;
	vm2 =	vlt.f32 v3, $0.0e+00  }
0x1c: {  	v9 =	vld [tilespmem:s0+$0x4800];
	vm3 =	vgt.f32 v6, $0.0e+00;
	vm4 =	vlt.f32 v7, $0.0e+00;
	vm5 =	vgt.f32 v7, $0.0e+00  }
0x1d: {  	v4 =	vld [tilespmem:s0+$0x7C00];
	vm0 =	vmor vm3, vm0;
	vm3 =	vmor vm5, vm4;
	vm4 =	vgt.f32 v5, $0.0e+00  }
0x1e: {  	v8 =	vld [tilespmem:s0+$0x1400];
	vm0 =	vmor vm0, vm3;
	vm1 =	vmor vm4, vm1;
	vm3 =	vgt.f32 v3, $0.0e+00  }
0x1f: {  	v2 =	vld [tilespmem:s0+$0xB000];
	v5 =	vsub.f32 v5, v6;
	vm0 =	vmor vm0, vm1;
	vm1 =	vmor vm3, vm2  }
0x20: {  	v3 =	vsub.f32 v3, v7;
	vm0 =	vmor vm0, vm1;
	vm1 =	vlt.s32 v10, $0x0  }
0x21: {  	vm6 =	vgt.f32 v9, $0.0e+00;
	vm1 =	vmand vm0, vm1  }
0x22: {  	vm5 =	vlt.f32 v9, $0.0e+00;
	v5 =	vmul.f32 v3, v5;
	v6 =	vsel vm1, $0x40000000, v0  }
0x23: {  	s14 =	simm.s32 $0x100;
	v7 =	vld [tilespmem:s0+$0xE400];
	vm4 =	vgt.f32 v8, $0.0e+00;
	vm2 =	vgt.s32 v10, $0x0;
	vm3 =	vlt.f32 v4, $0.0e+00;
	[tilespmem:s1+$0x18000] =	vst v6  }
0x24: {  	vm0 =	vmand vm0, vm2;
	vm2 =	vlt.f32 v8, $0.0e+00;
	vm1 =	vlt.f32 v2, $0.0e+00;
	v3 =	vld [tilespmem:s14+$0xB000];
	[tilespmem:s1+$0x11800] =	vst v5  }
0x25: {  	vm2 =	vmor vm4, vm2;
	vm4 =	vmor vm6, vm5;
	vm5 =	vgt.f32 v4, $0.0e+00;
	v6 =	vld [tilespmem:s14+$0x7C00]  }
0x26: {  	s8 =	simm.s32 $0x600;
	vm2 =	vmor vm2, vm4;
	vm3 =	vmor vm5, vm3;
	vm4 =	vgt.f32 v2, $0.0e+00;
	v5 =	vld [tilespmem:s14+$0x1400]  }
.LBB2_2:
0x27: {  	p0 =	sne.s32 s8, $0xCE00;
	v10 =	vld [tilespmem:s14+$0x4800];
	vm2 =	vmor vm2, vm3;
	vm1 =	vmor vm4, vm1;
	v1 =	vsub.f32 v4, v8  }
0x28: {  	v11 =	vsub.f32 v2, v9;
	vm1 =	vmor vm2, vm1;
	vm2 =	vlt.s32 v7, $0x0  }
0x29: {  	vm3 =	vgt.s32 v7, $0x0;
	v7 =	vsel vm0, $0x40000000, v0;
	vm2 =	vmand vm1, vm2;
	v2 =	vmovc v3  }
.Ltmp0:
0x2a: {  	v1 =	vmul.f32 v11, v1;
	vm0 =	vmand vm1, vm3;
	v3 =	vsel vm2, $0x40000000, v0;
	[tilespmem:s1+$0x14C00] =	vst v7;
	v4 =	vmovc v6;
	s1 =	smov.u32 s0;
	s0 =	smov.u32 s14;
	(pc) =	sbr.rel @p0 .LBB2_2-.Ltmp0, $4  }
0x2b: {  	s14 =	sshra.s32 s8, $0x2;
	vm1 =	vlt.f32 v2, $0.0e+00;
	v7 =	vld [tilespmem:s0+$0xE400];
	vm2 =	vlt.f32 v5, $0.0e+00;
	vm3 =	vlt.f32 v4, $0.0e+00;
	[tilespmem:s1+$0x18000] =	vst v3;
	v8 =	vmovc v5  }
0x2c: {  	v3 =	vld [tilespmem:s14+$0xB000];
	vm4 =	vgt.f32 v8, $0.0e+00;
	vm5 =	vlt.f32 v10, $0.0e+00;
	vm6 =	vgt.f32 v10, $0.0e+00;
	[tilespmem:s1+$0x11800] =	vst v1;
	v9 =	vmovc v10  }
0x2d: {  	v6 =	vld [tilespmem:s14+$0x7C00];
	vm2 =	vmor vm4, vm2;
	vm4 =	vmor vm6, vm5;
	vm5 =	vgt.f32 v4, $0.0e+00  }
0x2e: {  	s8 =	sadd.s32 $0x200, s8;
	v5 =	vld [tilespmem:s14+$0x1400];
	vm2 =	vmor vm2, vm4;
	vm3 =	vmor vm5, vm3;
	vm4 =	vgt.f32 v2, $0.0e+00  }
0x2f: {  	vm2 =	vmor vm2, vm3;
	vm1 =	vmor vm4, vm1  }
0x30: {  	v10 =	vld [tilespmem:s14+$0x4800];
	v4 =	vsub.f32 v4, v8;
	v2 =	vsub.f32 v2, v9;
	v57 =	vsel vm0, $0x40000000, v0  }
0x31: {  	vm1 =	vmor vm2, vm1;
	vm11 =	vlt.s32 v7, $0x0;
	vm12 =	vgt.s32 v7, $0x0  }
0x32: {  	vm2 =	vmand vm1, vm11;
	v2 =	vmul.f32 v2, v4;
	vm0 =	vmand vm1, vm12  }
0x33: {  	[tilespmem:s1+$0x14C00] =	vst v57;
	vm15 =	vlt.f32 v3, $0.0e+00;
	vm12 =	vgt.f32 v3, $0.0e+00;
	v58 =	vsel vm2, $0x40000000, v0  }
0x34: {  	v7 =	vld [tilespmem:s14+$0xE400];
	vm14 =	vlt.f32 v6, $0.0e+00;
	vm11 =	vgt.f32 v6, $0.0e+00;
	vm13 =	vlt.f32 v5, $0.0e+00  }
0x35: {  	vm9 =	vgt.f32 v5, $0.0e+00;
	vm5 =	vlt.f32 v10, $0.0e+00;
	vm6 =	vgt.f32 v10, $0.0e+00  }
0x36: {  	vm2 =	vmor vm11, vm14;
	vm1 =	vmor vm9, vm13;
	vm10 =	vmor vm6, vm5  }
0x37: {  	v59 =	vsub.f32 v6, v5;
	v60 =	vsub.f32 v3, v10;
	vm1 =	vmor vm1, vm10  }
0x38: {  	v61 =	vsel vm0, $0x40000000, v0;
	[tilespmem:s0+$0x18000] =	vst v58;
	vm13 =	vmor vm12, vm15;
	vm1 =	vmor vm1, vm2  }
0x39: {  	[tilespmem:s0+$0x11800] =	vst v2;
	vm14 =	vlt.s32 v7, $0x0;
	v3 =	vmul.f32 v60, v59;
	vm1 =	vmor vm1, vm13  }
0x3a: {  	[tilespmem:s0+$0x14C00] =	vst v61;
	vm15 =	vgt.s32 v7, $0x0;
	vm2 =	vmand vm1, vm14  }
0x3b: {  	[tilespmem:s14+$0x11800] =	vst v3;
	vm0 =	vmand vm1, vm15;
	v62 =	vsel vm2, $0x40000000, v0  }
0x3c: {  	v63 =	vsel vm0, $0x40000000, v0;
	[tilespmem:s14+$0x18000] =	vst v62  }
0x3d: {  	s13 =	simm.s32 $0x0;
	[tilespmem:s14+$0x14C00] =	vst v63  }
.LBB2_4:
0x3e: {  	s30 =	simm.s32 $0x0  }
0x3f: {  	v27 =	vld [tilespmem:s30+$0x1480]  }
0x40: {  	v28 =	vld [tilespmem:s30+$0x4880]  }
0x41: {  	v31 =	vld [tilespmem:s30+$0x7C80]  }
0x42: {  	v35 =	vld [tilespmem:s30+$0x1400]  }
0x43: {  	s0 =	sshll.u32 s13, $0x6;
	s1 =	sshll.u32 s13, $0x8;
	v36 =	vld [tilespmem:s30+$0x4800]  }
0x44: {  	s0 =	sand.u32 $0x40, s0;
	s8 =	sand.u32 $0xE00, s1;
	v39 =	vld [tilespmem:s30+$0x7C00]  }
0x45: {  	v43 =	vld [tilespmem:s30+$0xB000];
	s25 =	sor.u32 s0, s8  }
0x46: {  	s14 =	sor.u32 s1, s0;
	v14 =	vld [tilespmem:s25+$0x0]  }
0x47: {  	v15 =	vld [tilespmem:s25+$0x80];
	s24 =	sor.u32 $0x100, s14  }
0x48: {  	s21 =	sor.u32 $0x10, s0;
	s22 =	sor.u32 $0x180, s14;
	v12 =	vld [tilespmem:s24+$0x0]  }
0x49: {  	s23 =	sor.u32 s8, s21;
	v13 =	vld [tilespmem:s22+$0x0]  }
0x4a: {  	s26 =	sor.u32 $0x20, s0;
	v10 =	vld [tilespmem:s23+$0x0]  }
0x4b: {  	s19 =	sor.u32 s8, s26;
	v11 =	vld [tilespmem:s23+$0x80]  }
0x4c: {  	s0 =	sor.u32 $0x30, s0;
	v7 =	vld [tilespmem:s19+$0x0]  }
0x4d: {  	s16 =	sor.u32 s8, s0;
	v6 =	vld [tilespmem:s19+$0x80]  }
0x4e: {  	s14 =	sor.u32 s1, s21;
	v2 =	vld [tilespmem:s16+$0x0]  }
0x4f: {  	s21 =	sor.u32 $0x100, s14;
	v3 =	vld [tilespmem:s16+$0x80]  }
0x50: {  	s0 =	sor.u32 s1, s0;
	s20 =	sor.u32 $0x180, s14;
	v8 =	vld [tilespmem:s21+$0x0];
	v37 =	vmax.f32 v14, v27;
	v38 =	vmax.f32 v15, v28  }
0x51: {  	s14 =	sor.u32 s1, s26;
	s15 =	sor.u32 $0x180, s0;
	v9 =	vld [tilespmem:s20+$0x0];
	v51 =	vmax.f32 v14, v35;
	v52 =	vmax.f32 v15, v36;
	v18 =	vsub.f32 v12, v14  }
0x52: {  	s18 =	sor.u32 $0x100, s14;
	v0 =	vld [tilespmem:s15+$0x0];
	v19 =	vsub.f32 v13, v15;
	v40 =	vmin.f32 v12, v31;
	v42 =	vmax.f32 v10, v27  }
0x53: {  	s17 =	sor.u32 $0x180, s14;
	v5 =	vld [tilespmem:s18+$0x0];
	v44 =	vmax.f32 v11, v28;
	v47 =	vmax.f32 v7, v27;
	v48 =	vmax.f32 v6, v28  }
0x54: {  	s14 =	sor.u32 $0x100, s0;
	v4 =	vld [tilespmem:s17+$0x0];
	v27 =	vmax.f32 v2, v27;
	v28 =	vmax.f32 v3, v28;
	v53 =	vmin.f32 v12, v39  }
0x55: {  	v1 =	vld [tilespmem:s14+$0x0];
	v54 =	vmin.f32 v13, v43;
	v55 =	vmax.f32 v10, v35;
	v56 =	vmax.f32 v11, v36  }
0x56: {  	v59 =	vmax.f32 v7, v35;
	v22 =	vsub.f32 v8, v10;
	v23 =	vsub.f32 v9, v11  }
0x57: {  	v45 =	vmin.f32 v8, v31;
	v57 =	vmin.f32 v8, v39;
	v58 =	vmin.f32 v9, v43  }
0x58: {  	[tilespmem:$0x1FF40] =	vst v10;
	v37 =	vsub.f32 v40, v37;
	v10 =	vmax.f32 v6, v36;
	v54 =	vsub.f32 v54, v52  }
0x59: {  	v36 =	vmax.f32 v3, v36;
	v24 =	vsub.f32 v5, v7;
	v26 =	vsub.f32 v4, v6  }
0x5a: {  	[tilespmem:$0x1FF00] =	vst v14;
	v16 =	vmul.f32 v19, v18;
	v18 =	vsub.f32 v1, v2;
	v19 =	vsub.f32 v0, v3  }
0x5b: {  	v20 =	vld [tilespmem:s30+$0x11880];
	[tilespmem:$0x1FF50] =	vst v11;
	v49 =	vmin.f32 v5, v31;
	v31 =	vmin.f32 v1, v31;
	v11 =	vsub.f32 v45, v42  }
0x5c: {  	v25 =	vld [tilespmem:s30+$0x11800];
	[tilespmem:$0x1FF20] =	vst v12;
	v12 =	vmin.f32 v5, v39;
	v14 =	vmin.f32 v4, v43;
	v55 =	vsub.f32 v57, v55  }
0x5d: {  	v56 =	vsub.f32 v58, v56;
	v39 =	vmin.f32 v1, v39;
	v43 =	vmin.f32 v0, v43  }
0x5e: {  	v17 =	vmul.f32 v23, v22;
	v27 =	vsub.f32 v31, v27;
	v42 =	vsub.f32 v12, v59  }
0x5f: {  	v31 =	vmax.f32 v2, v35;
	v40 =	vsub.f32 v14, v10;
	v36 =	vsub.f32 v43, v36  }
0x60: {  	v37 =	vmax.f32 v37, $0.0e+00;
	v35 =	vmax.f32 v54, $0.0e+00;
	v21 =	vmul.f32 v26, v24  }
0x61: {  	v24 =	vmul.f32 v19, v18;
	v19 =	vadd.f32 v20, v16;
	v30 =	vadd.f32 v25, v16  }
0x62: {  	v18 =	vld [tilespmem:s30+$0xB080];
	v31 =	vsub.f32 v39, v31;
	v57 =	vmax.f32 v11, $0.0e+00;
	v61 =	vmax.f32 v55, $0.0e+00  }
0x63: {  	v62 =	vmax.f32 v56, $0.0e+00;
	v33 =	vadd.f32 v20, v17;
	v29 =	vadd.f32 v25, v17  }
0x64: {  	[tilespmem:$0x1FF10] =	vst v15;
	v27 =	vmax.f32 v27, $0.0e+00;
	v63 =	vmax.f32 v42, $0.0e+00;
	v40 =	vmax.f32 v40, $0.0e+00  }
0x65: {  	[tilespmem:$0x1FF30] =	vst v13;
	v36 =	vmax.f32 v36, $0.0e+00;
	v39 =	vmul.f32 v62, v61;
	v34 =	vadd.f32 v20, v21  }
0x66: {  	[tilespmem:$0x1FF80] =	vst v7;
	v32 =	vadd.f32 v20, v24;
	v20 =	vimm.f32 $-1.000000000e+00;
	v26 =	vadd.f32 v25, v21  }
0x67: {  	[tilespmem:$0x1FF90] =	vst v6;
	v25 =	vadd.f32 v25, v24;
	v41 =	vmin.f32 v13, v18;
	v46 =	vmin.f32 v9, v18  }
0x68: {  	[tilespmem:$0x1FFC0] =	vst v2;
	v50 =	vmin.f32 v4, v18;
	v13 =	vsub.f32 v49, v47;
	v38 =	vsub.f32 v41, v38  }
0x69: {  	[tilespmem:$0x1FFD0] =	vst v3;
	v18 =	vmin.f32 v0, v18;
	v44 =	vsub.f32 v46, v44;
	v15 =	vsub.f32 v50, v48  }
0x6a: {  	[tilespmem:$0x1FF60] =	vst v8;
	v40 =	vmul.f32 v40, v63;
	v18 =	vsub.f32 v18, v28;
	v28 =	vsub.f32 v53, v51  }
0x6b: {  	[tilespmem:$0x1FF70] =	vst v9;
	v59 =	vmax.f32 v13, $0.0e+00;
	v38 =	vmax.f32 v38, $0.0e+00;
	v58 =	vmax.f32 v44, $0.0e+00  }
0x6c: {  	[tilespmem:$0x1FFF0] =	vst v0;
	v60 =	vmax.f32 v15, $0.0e+00;
	v28 =	vmax.f32 v28, $0.0e+00;
	v45 =	vmul.f32 v38, v37  }
0x6d: {  	[tilespmem:$0x1FFA0] =	vst v5;
	v18 =	vmax.f32 v18, $0.0e+00;
	v43 =	vmul.f32 v58, v57;
	v44 =	vmul.f32 v60, v59  }
0x6e: {  	[tilespmem:$0x1FFB0] =	vst v4;
	v31 =	vmax.f32 v31, $0.0e+00;
	v41 =	vmul.f32 v35, v28;
	v42 =	vmul.f32 v18, v27  }
0x6f: {  	[tilespmem:$0x1FFE0] =	vst v1;
	v35 =	vmul.f32 v36, v31;
	v31 =	vimm.f32 $-1.000000000e+00;
	v28 =	vimm.f32 $-1.000000000e+00  }
0x70: {  	[tilespmem:$0x1FED0] =	vst v16;
	v27 =	vimm.f32 $-1.000000000e+00;
	v18 =	vimm.f32 $-1.000000000e+00;
	v19 =	vsub.f32 v19, v45  }
0x71: {  	s31 =	sor.u32 $0x80, s25;
	s29 =	sor.u32 $0x80, s23;
	s28 =	sor.u32 $0x80, s19;
	[tilespmem:$0x1FEE0] =	vst v17;
	v37 =	vsub.f32 v33, v43;
	v36 =	vsub.f32 v34, v44;
	v34 =	vimm.f32 $-1.000000000e+00  }
0x72: {  	s26 =	sor.u32 $0x80, s16;
	s1 =	simm.s32 $0x0;
	s0 =	simm.s32 $0x400;
	[tilespmem:$0x1FEF0] =	vst v21;
	v33 =	vimm.f32 $-1.000000000e+00;
	v38 =	vmax.f32 v19, $9.999999930e-09;
	v19 =	vimm.f32 $-1.000000000e+00  }
.LBB2_5:
0x73: {  	v0 =	vld [tilespmem:$0x1FED0]  }
0x74: {  	v1 =	vld [tilespmem:$0x1FEE0]  }
0x75: {  	v2 =	vld [tilespmem:$0x1FEF0]  }
0x76: {  	v23 =	vld [tilespmem:$0x1FF10]  }
0x77: {  	v17 =	vld [tilespmem:$0x1FF20]  }
0x78: {  	v21 =	vld [tilespmem:$0x1FF30]  }
0x79: {  	v15 =	vld [tilespmem:$0x1FF40]  }
0x7a: {  	v16 =	vld [tilespmem:$0x1FF50]  }
0x7b: {  	v13 =	vld [tilespmem:$0x1FF60]  }
0x7c: {  	s8 =	sshra.s32 s0, $0x2;
	v14 =	vld [tilespmem:$0x1FF70]  }
0x7d: {  	v46 =	vld [tilespmem:s8+$0x11880]  }
0x7e: {  	(erf) = vrcp.f32 v38;
	v37 =	vmax.f32 v37, $9.999999930e-09;
	v32 =	vsub.f32 v32, v42;
	v47 =	vld [tilespmem:s8+$0x11800]  }
0x7f: {  	v30 =	vsub.f32 v30, v41;
	v36 =	vmax.f32 v36, $9.999999930e-09;
	v29 =	vsub.f32 v29, v39;
	v49 =	vld [tilespmem:s8+$0x4880]  }
0x80: {  	v26 =	vsub.f32 v26, v40;
	v25 =	vsub.f32 v25, v35;
	v50 =	vld [tilespmem:s8+$0x7C80];
	(erf) = vrcp.f32 v37  }
0x81: {  	v51 =	vld [tilespmem:s8+$0xB080];
	v32 =	vmax.f32 v32, $9.999999930e-09;
	(erf) = vrcp.f32 v36;
	v30 =	vmax.f32 v30, $9.999999930e-09  }
0x82: {  	v48 =	vld [tilespmem:s8+$0x1480];
	v29 =	vmax.f32 v29, $9.999999930e-09;
	v26 =	vmax.f32 v26, $9.999999930e-09;
	v25 =	vmax.f32 v25, $9.999999930e-09  }
0x83: {  	v12 =	vld [tilespmem:$0x1FF80];
	(erf) = vrcp.f32 v32;
	v38 =	vadd.f32 v46, v0;
	v37 =	vadd.f32 v46, v1  }
0x84: {  	v10 =	vld [tilespmem:$0x1FFA0];
	(erf) = vrcp.f32 v30;
	v36 =	vadd.f32 v46, v2;
	v30 =	vadd.f32 v47, v0  }
0x85: {  	v22 =	vld [tilespmem:$0x1FF00];
	(erf) = vrcp.f32 v29;
	v32 =	vadd.f32 v46, v24;
	v29 =	vadd.f32 v47, v1  }
0x86: {  	v11 =	vld [tilespmem:$0x1FF90];
	v52 =	vmax.f32 v23, v49;
	v54 =	vmin.f32 v17, v50;
	v55 =	vmin.f32 v21, v51  }
0x87: {  	v8 =	vld [tilespmem:$0x1FFC0];
	v56 =	vmax.f32 v15, v48;
	v59 =	vmax.f32 v16, v49;
	v60 =	vmin.f32 v13, v50  }
0x88: {  	v61 =	vmin.f32 v14, v51;
	v1 =	vmax.f32 v12, v48;
	(erf) = vrcp.f32 v26  }
0x89: {  	v9 =	vld [tilespmem:$0x1FFB0];
	v26 =	vadd.f32 v47, v2;
	v2 =	vmin.f32 v10, v50;
	v52 =	vsub.f32 v55, v52  }
0x8a: {  	v57 =	vld [tilespmem:s30+$0x14C80];
	(erf) = vrcp.f32 v25;
	v25 =	vadd.f32 v47, v24;
	v47 =	vmax.f32 v22, v48;
	v4 =	vpop (erf)  }
0x8b: {  	v62 =	vld [tilespmem:s30+$0x18080];
	v0 =	vmax.f32 v11, v49;
	v1 =	vsub.f32 v2, v1;
	v47 =	vsub.f32 v54, v47;
	v53 =	vpop (erf)  }
0x8c: {  	v60 =	vsub.f32 v60, v56;
	v48 =	vmax.f32 v8, v48;
	v45 =	vmul.f32 v4, v45;
	v58 =	vpop (erf)  }
0x8d: {  	v1 =	vmax.f32 v1, $0.0e+00;
	v56 =	vmax.f32 v47, $0.0e+00;
	v43 =	vmul.f32 v53, v43;
	v63 =	vpop (erf)  }
0x8e: {  	v3 =	vld [tilespmem:s30+$0x14C00];
	v44 =	vmul.f32 v58, v44;
	v58 =	vmin.f32 v9, v51;
	v46 =	vpop (erf);
	v42 =	vmul.f32 v63, v42  }
0x8f: {  	v4 =	vld [tilespmem:s30+$0x18000];
	v0 =	vsub.f32 v58, v0;
	v58 =	vmax.f32 v60, $0.0e+00;
	v41 =	vmul.f32 v46, v41  }
0x90: {  	v53 =	vpop (erf);
	v46 =	vmin.f32 v45, v57;
	v45 =	vmin.f32 v45, v62;
	v63 =	vmin.f32 v44, v57  }
0x91: {  	v44 =	vmin.f32 v44, v62;
	v39 =	vmul.f32 v53, v39;
	v53 =	vmin.f32 v43, v57  }
0x92: {  	v5 =	vpop (erf);
	v43 =	vmin.f32 v43, v62;
	v57 =	vmin.f32 v42, v57;
	v42 =	vmin.f32 v42, v62  }
0x93: {  	v0 =	vmax.f32 v0, $0.0e+00;
	v40 =	vmul.f32 v5, v40;
	v7 =	vpop (erf);
	v62 =	vmin.f32 v41, v3  }
0x94: {  	s30 =	smov.u32 s8;
	v41 =	vmin.f32 v41, v4;
	v35 =	vmul.f32 v7, v35;
	v5 =	vmin.f32 v39, v3  }
0x95: {  	v39 =	vmin.f32 v39, v4;
	v7 =	vld [tilespmem:s30+$0x1400];
	v20 =	vmax.f32 v20, v62;
	v34 =	vmax.f32 v34, v41  }
0x96: {  	v41 =	vld [tilespmem:s30+$0x4800];
	v6 =	vmin.f32 v40, v3;
	v40 =	vmin.f32 v40, v4;
	v20 =	vmax.f32 v20, v46  }
0x97: {  	v62 =	vld [tilespmem:$0x1FFE0];
	v34 =	vmax.f32 v34, v45;
	v5 =	vmax.f32 v33, v5;
	v31 =	vmax.f32 v31, v39  }
0x98: {  	v3 =	vmin.f32 v35, v3;
	v4 =	vmin.f32 v35, v4;
	v6 =	vmax.f32 v28, v6  }
0x99: {  	v39 =	vld [tilespmem:s30+$0xB000];
	v33 =	vmax.f32 v5, v53;
	v31 =	vmax.f32 v31, v43;
	v53 =	vmax.f32 v27, v40  }
0x9a: {  	v35 =	vld [tilespmem:s30+$0x7C00];
	v28 =	vmax.f32 v6, v63;
	v3 =	vmax.f32 v19, v3;
	v4 =	vmax.f32 v18, v4  }
0x9b: {  	v27 =	vmax.f32 v53, v44;
	v63 =	vld [tilespmem:$0x1FFD0];
	v19 =	vmax.f32 v3, v57;
	v18 =	vmax.f32 v4, v42  }
0x9c: {  	v4 =	vmin.f32 v62, v50;
	v6 =	vmax.f32 v22, v7;
	v40 =	vmax.f32 v23, v41  }
0x9d: {  	v44 =	vmax.f32 v15, v7;
	v45 =	vmax.f32 v16, v41;
	v50 =	vmax.f32 v12, v7  }
0x9e: {  	v12 =	vmax.f32 v8, v7;
	v43 =	vmin.f32 v21, v39;
	v4 =	vsub.f32 v4, v48  }
0x9f: {  	v57 =	vld [tilespmem:$0x1FFF0];
	v42 =	vmin.f32 v17, v35;
	v46 =	vmin.f32 v13, v35;
	v53 =	vmin.f32 v10, v35  }
0xa0: {  	v10 =	vsub.f32 v61, v59;
	v35 =	vmin.f32 v62, v35;
	v3 =	vmax.f32 v63, v49  }
0xa1: {  	v49 =	vmin.f32 v14, v39;
	v13 =	vsub.f32 v42, v6;
	v14 =	vsub.f32 v43, v40  }
0xa2: {  	v15 =	vmax.f32 v63, v41;
	v48 =	vsub.f32 v46, v44;
	v50 =	vsub.f32 v53, v50  }
0xa3: {  	v2 =	vsub.f32 v35, v12;
	v4 =	vmax.f32 v4, $0.0e+00;
	v44 =	vmul.f32 v0, v1  }
0xa4: {  	v5 =	vmin.f32 v57, v51;
	v51 =	vmax.f32 v11, v41;
	v11 =	vmin.f32 v9, v39  }
0xa5: {  	v49 =	vsub.f32 v49, v45;
	v39 =	vmin.f32 v57, v39;
	v57 =	vmax.f32 v52, $0.0e+00  }
0xa6: {  	v59 =	vmax.f32 v10, $0.0e+00;
	v3 =	vsub.f32 v5, v3;
	v53 =	vsub.f32 v11, v51  }
0xa7: {  	s1 =	sadd.s32 $0x2, s1;
	v7 =	vsub.f32 v39, v15;
	v5 =	vmax.f32 v13, $0.0e+00;
	v6 =	vmax.f32 v14, $0.0e+00  }
0xa8: {  	p0 =	slt.u32 s1, $0x66;
	v40 =	vmax.f32 v48, $0.0e+00;
	v61 =	vmax.f32 v50, $0.0e+00;
	v2 =	vmax.f32 v2, $0.0e+00  }
.Ltmp1:
0xa9: {  	v45 =	vmul.f32 v57, v56;
	v43 =	vmul.f32 v59, v58;
	v36 =	vsub.f32 v36, v44;
	(pc) =	sbr.rel @p0 .LBB2_5-.Ltmp1, $4  }
0xaa: {  	v60 =	vmax.f32 v49, $0.0e+00;
	v41 =	vmul.f32 v6, v5;
	v3 =	vmax.f32 v3, $0.0e+00  }
0xab: {  	v62 =	vmax.f32 v53, $0.0e+00;
	v7 =	vmax.f32 v7, $0.0e+00;
	v63 =	vsub.f32 v38, v45  }
0xac: {  	v39 =	vmul.f32 v60, v40;
	v37 =	vsub.f32 v37, v43;
	v42 =	vmul.f32 v3, v4  }
0xad: {  	s0 =	sadd.s32 $0x400, s0;
	v40 =	vmul.f32 v62, v61;
	v35 =	vmul.f32 v7, v2;
	v38 =	vmax.f32 v63, $9.999999930e-09  }
0xae: {  	v0 =	vmax.f32 v37, $9.999999930e-09;
	v1 =	vsub.f32 v32, v42;
	(erf) = vrcp.f32 v38  }
0xaf: {  	v2 =	vsub.f32 v30, v41;
	v3 =	vmax.f32 v36, $9.999999930e-09;
	(erf) = vrcp.f32 v0  }
0xb0: {  	v53 =	vsub.f32 v29, v39;
	v1 =	vmax.f32 v1, $9.999999930e-09;
	(erf) = vrcp.f32 v3  }
0xb1: {  	v32 =	vld [tilespmem:$0x1FF10];
	v54 =	vsub.f32 v26, v40;
	v2 =	vmax.f32 v2, $9.999999930e-09;
	(erf) = vrcp.f32 v1  }
0xb2: {  	v8 =	vld [tilespmem:$0x1FF20];
	v0 =	vmax.f32 v53, $9.999999930e-09;
	(erf) = vrcp.f32 v2  }
0xb3: {  	v36 =	vld [tilespmem:$0x1FF30];
	v55 =	vmax.f32 v54, $9.999999930e-09;
	(erf) = vrcp.f32 v0  }
0xb4: {  	v56 =	vsub.f32 v25, v35;
	(erf) = vrcp.f32 v55  }
0xb5: {  	v22 =	vld [tilespmem:s30+$0x14C80]  }
0xb6: {  	v21 =	vld [tilespmem:s30+$0x18080];
	v10 =	vimm.f32 $0.0e+00;
	v0 =	vmax.f32 v56, $9.999999930e-09;
	vm2 =	vlt.f32 v32, $0.0e+00  }
0xb7: {  	vm3 =	vgt.f32 v32, $0.0e+00;
	vm12 =	vlt.f32 v8, $0.0e+00;
	vm13 =	vgt.f32 v8, $0.0e+00;
	v57 =	vpop (erf)  }
0xb8: {  	vm14 =	vlt.f32 v36, $0.0e+00;
	vm15 =	vgt.f32 v36, $0.0e+00;
	v58 =	vpop (erf);
	v1 =	vmul.f32 v57, v45  }
0xb9: {  	v23 =	vld [tilespmem:s30+$0x14C00];
	vm11 =	vmor vm3, vm2;
	vm5 =	vmor vm15, vm14;
	v59 =	vpop (erf);
	v2 =	vmul.f32 v58, v43  }
0xba: {  	v24 =	vld [tilespmem:s30+$0x18000];
	(erf) = vrcp.f32 v0;
	v60 =	vpop (erf);
	v3 =	vmul.f32 v59, v44;
	v6 =	vmin.f32 v1, v22  }
0xbb: {  	v1 =	vmin.f32 v1, v21;
	v4 =	vpop (erf);
	v61 =	vmul.f32 v60, v42;
	v7 =	vmin.f32 v2, v22  }
0xbc: {  	v2 =	vmin.f32 v2, v21;
	v5 =	vpop (erf);
	v4 =	vmul.f32 v4, v41;
	v63 =	vmin.f32 v3, v22  }
0xbd: {  	v42 =	vld [tilespmem:$0x1FF70];
	v3 =	vmin.f32 v3, v21;
	v62 =	vpop (erf);
	v5 =	vmul.f32 v5, v39;
	v57 =	vmin.f32 v61, v22  }
0xbe: {  	v58 =	vmin.f32 v61, v21;
	v0 =	vmul.f32 v62, v40;
	v15 =	vmin.f32 v4, v23  }
0xbf: {  	v47 =	vld [tilespmem:$0x1FFA0];
	v4 =	vmin.f32 v4, v24;
	v16 =	vmin.f32 v5, v23;
	v5 =	vmin.f32 v5, v24  }
0xc0: {  	v39 =	vld [tilespmem:$0x1FF40];
	v20 =	vmax.f32 v20, v15;
	v4 =	vmax.f32 v34, v4;
	v17 =	vmin.f32 v0, v23  }
0xc1: {  	v40 =	vld [tilespmem:$0x1FF50];
	v0 =	vmin.f32 v0, v24;
	v6 =	vmax.f32 v20, v6;
	v1 =	vmax.f32 v4, v1  }
0xc2: {  	v34 =	vmax.f32 v33, v16;
	v5 =	vmax.f32 v31, v5;
	vm14 =	vgt.f32 v42, $0.0e+00  }
0xc3: {  	v20 =	vld [tilespmem:$0x1FF00];
	v51 =	vpop (erf);
	v14 =	vmax.f32 v28, v17;
	v4 =	vmax.f32 v34, v7;
	v2 =	vmax.f32 v5, v2  }
0xc4: {  	v0 =	vmax.f32 v27, v0;
	v53 =	vmul.f32 v51, v35;
	v38 =	vmax.f32 v14, v63  }
0xc5: {  	v41 =	vld [tilespmem:$0x1FF60];
	vm8 =	vlt.f32 v39, $0.0e+00;
	vm9 =	vgt.f32 v39, $0.0e+00;
	v0 =	vmax.f32 v0, v3  }
0xc6: {  	vm4 =	vlt.f32 v40, $0.0e+00;
	vm2 =	vmor vm9, vm8;
	vm8 =	vlt.f32 v47, $0.0e+00  }
0xc7: {  	v48 =	vld [tilespmem:$0x1FFB0];
	vm9 =	vgt.f32 v47, $0.0e+00;
	v56 =	vmin.f32 v53, v23;
	v3 =	vmin.f32 v53, v24  }
0xc8: {  	v11 =	vld [tilespmem:$0x1FFC0];
	v3 =	vmax.f32 v18, v3;
	vm0 =	vlt.f32 v20, $0.0e+00;
	vm1 =	vgt.f32 v20, $0.0e+00  }
0xc9: {  	v3 =	vmax.f32 v3, v58;
	vm0 =	vmor vm1, vm0;
	vm1 =	vmor vm13, vm12  }
0xca: {  	v45 =	vld [tilespmem:$0x1FF80];
	vm12 =	vgt.f32 v41, $0.0e+00;
	vm0 =	vmor vm0, vm11;
	vm11 =	vlt.f32 v41, $0.0e+00  }
0xcb: {  	vm13 =	vlt.f32 v42, $0.0e+00;
	vm0 =	vmor vm0, vm1;
	vm3 =	vmor vm12, vm11  }
0xcc: {  	vm11 =	vmor vm9, vm8;
	vm12 =	vlt.f32 v48, $0.0e+00;
	vm0 =	vmor vm0, vm5  }
0xcd: {  	v46 =	vld [tilespmem:$0x1FF90];
	vm9 =	vlt.f32 v11, $0.0e+00;
	vm5 =	vgt.f32 v40, $0.0e+00;
	v37 =	vnsel vm0, $0xBF800000, v6  }
0xce: {  	v1 =	vnsel vm0, $0xBF800000, v1;
	vm10 =	vmor vm5, vm4;
	vm4 =	vmor vm14, vm13  }
0xcf: {  	vm5 =	vgt.f32 v45, $0.0e+00;
	vm13 =	vgt.f32 v48, $0.0e+00;
	vm6 =	vlt.f32 v37, $5.000000000e-01  }
0xd0: {  	vm7 =	vlt.f32 v1, $1.000000050e-03;
	vm2 =	vmor vm2, vm10;
	vm15 =	vge.f32 v37, $5.000000000e-01  }
0xd1: {  	vm1 =	vmand vm6, vm7;
	vm2 =	vmor vm2, vm3;
	vm3 =	vmand vm0, vm15  }
0xd2: {  	v52 =	vld [tilespmem:$0x1FFD0];
	vm6 =	vlt.f32 v46, $0.0e+00;
	vm7 =	vgt.f32 v46, $0.0e+00;
	vm0 =	vmand vm0, vm1  }
0xd3: {  	vm1 =	vmor vm2, vm4;
	v43 =	vsel vm3, $0x3F800000, v10;
	vm4 =	vlt.f32 v45, $0.0e+00  }
0xd4: {  	v54 =	vld [tilespmem:$0x1FFE0];
	vm2 =	vmor vm7, vm6;
	v44 =	vsel vm0, $0x3F800000, v10;
	v4 =	vnsel vm1, $0xBF800000, v4  }
0xd5: {  	v2 =	vnsel vm1, $0xBF800000, v2;
	vm0 =	vmor vm5, vm4;
	vm10 =	vge.f32 v4, $5.000000000e-01  }
0xd6: {  	vm0 =	vmor vm0, vm2;
	vm14 =	vlt.f32 v4, $5.000000000e-01;
	vm2 =	vmor vm13, vm12  }
0xd7: {  	v55 =	vld [tilespmem:$0x1FFF0];
	vm15 =	vlt.f32 v2, $1.000000050e-03;
	vm12 =	vgt.f32 v52, $0.0e+00;
	vm0 =	vmor vm0, vm11  }
0xd8: {  	[tilespmem:s25+$0xA00] =	vst v37;
	vm5 =	vmand vm1, vm10;
	vm3 =	vmand vm14, vm15;
	vm10 =	vgt.f32 v11, $0.0e+00  }
0xd9: {  	[tilespmem:s31+$0xA00] =	vst v1;
	vm11 =	vlt.f32 v52, $0.0e+00;
	vm14 =	vlt.f32 v54, $0.0e+00;
	vm15 =	vgt.f32 v54, $0.0e+00  }
0xda: {  	[tilespmem:s24+$0xA00] =	vst v43;
	vm0 =	vmor vm0, vm2;
	v49 =	vsel vm5, $0x3F800000, v10;
	vm1 =	vmand vm1, vm3  }
0xdb: {  	[tilespmem:s22+$0xA00] =	vst v44;
	vm2 =	vmor vm10, vm9;
	vm13 =	vmor vm12, vm11;
	vm3 =	vmor vm15, vm14  }
0xdc: {  	[tilespmem:s23+$0xA00] =	vst v4;
	vm9 =	vgt.f32 v55, $0.0e+00;
	v6 =	vnsel vm0, $0xBF800000, v38;
	v9 =	vsel vm1, $0x3F800000, v10  }
0xdd: {  	[tilespmem:s29+$0xA00] =	vst v2;
	v0 =	vnsel vm0, $0xBF800000, v0;
	vm2 =	vmor vm2, vm13;
	vm6 =	vge.f32 v6, $5.000000000e-01  }
0xde: {  	[tilespmem:s21+$0xA00] =	vst v49;
	vm7 =	vlt.f32 v6, $5.000000000e-01;
	vm8 =	vlt.f32 v0, $1.000000050e-03;
	vm1 =	vmand vm0, vm6  }
0xdf: {  	[tilespmem:s20+$0xA00] =	vst v9;
	v50 =	vsel vm1, $0x3F800000, v10;
	vm1 =	vmand vm7, vm8;
	vm8 =	vlt.f32 v55, $0.0e+00  }
0xe0: {  	v2 =	vmax.f32 v19, v56;
	vm2 =	vmor vm2, vm3;
	[tilespmem:s19+$0xA00] =	vst v6;
	vm10 =	vmor vm9, vm8  }
0xe1: {  	s13 =	sadd.s32 $0x1, s13;
	v2 =	vmax.f32 v2, v57;
	[tilespmem:s28+$0xA00] =	vst v0;
	vm0 =	vmand vm0, vm1;
	vm11 =	vmor vm2, vm10  }
0xe2: {  	p0 =	sne.s32 s13, $0xA;
	[tilespmem:s18+$0xA00] =	vst v50;
	v59 =	vsel vm0, $0x3F800000, v10;
	v60 =	vnsel vm11, $0xBF800000, v2;
	v61 =	vnsel vm11, $0xBF800000, v3  }
.Ltmp2:
0xe3: {  	[tilespmem:s17+$0xA00] =	vst v59;
	vm12 =	vge.f32 v60, $5.000000000e-01;
	vm13 =	vlt.f32 v60, $5.000000000e-01;
	vm14 =	vlt.f32 v61, $1.000000050e-03;
	(pc) =	sbr.rel @p0 .LBB2_4-.Ltmp2, $4  }
0xe4: {  	[tilespmem:s16+$0xA00] =	vst v60;
	vm2 =	vmand vm13, vm14;
	vm0 =	vmand vm11, vm12  }
0xe5: {  	[tilespmem:s26+$0xA00] =	vst v61;
	v62 =	vsel vm0, $0x3F800000, v10;
	vm15 =	vmand vm11, vm2  }
0xe6: {  	v63 =	vsel vm15, $0x3F800000, v10;
	[tilespmem:s14+$0xA00] =	vst v62  }
0xe7: {  	[tilespmem:s15+$0xA00] =	vst v63  }
0xe8: {  	s12 =	sadd.s32 $0x1, s12  }
0xe9: {  	p0 =	sne.s32 s12, s7  }
.Ltmp3:
0xea: {  	_ = 	snop;
	(pc) =	sbr.rel @p0 .LBB2_1-.Ltmp3, $4  }
0xeb: {  	[hbm4b:s6+s2] =	stream.linear.scatter [tilespmem:s11], [sflag:$0x1], $0xA00, $0x38;
	[tilespmem:$0x1B400] =	vst v63  }
0xec: {  	_ =	swait.ge [sflag:s9], $0xA00  }
0xed: {  	[sflag:s9] =	ssyncset.done $0x0  }
0xee: {  	v0 =	vimm.f32 $-1.000000000e+00;
	[sflag:s9] =	ssyncadd.s32 $0xFFFFF600  }
0xef: {  	_ =	sfence.sel $0x180000  }
0xf0: {  	[bflag:$0x0] =	sbarrier.arrive $0xFFFF  }
0xf1: {  	_ =	strace $0x90000047  }
0xf2: {  	s0 =	stileid.u32;
	[bflag:$0x2] =	sbarrier.arrive $0xFFFF  }
0xf3: {  	p0 =	sne.s32 s0, $0x0;
	s0 =	rddreg [dreg:$0x2]  }
0xf4: {  	s0 =	sadd.s32 @!p0 $0x100000, s0  }
0xf5: {  	[sflag:s0] =	ssyncadd.tile.s32 @!p0 $0x1;
	_ =	shalt  }
.Lfunc_end2:
_tile_overlayer_lowered:
.L_overlay_start_2:
0xf6: {  	(tag) =	ssettag $0x2  }
0xf7: {  	s0 =	rddreg [dreg:$0x0];
	s2 =	stileid.u32  }
0xf8: {  	s1 =	rddreg [dreg:$0x1];
	p0 =	sne.s32 s2, $0x0  }
0xf9: {  	s3 =	rddreg [dreg:$0x2];
	[bflag:$0x3] =	sbarrier.arrive $0xFFFF;
	s2 =	simm.s32 @!p0 $0x1C01  }
0xfa: {  	[timem:s3], [sflag:s2] =	dma.local @!p0 [hbm:s0], s1  }
0xfb: {  	s0 =	simm.s32 @!p0 $0x1  }
0xfc: {  	_ =	swait.ge @!p0 [sflag:s0], s1  }
0xfd: {  	s1 =	ssub.s32 @!p0 $0x0, s1;
	[sflag:s0] =	ssyncset.done @!p0 $0x0  }
0xfe: {  	[sflag:s0] =	ssyncadd.s32 @!p0 s1  }
0xff: {  	[bflag:$0x3] =	sbarrier.arrive $0xFFFF  }
0x100: {  	_ =	shalt  }

</sc_bundles>
